<compile_context>
chip_gen: v7x
topology: tpu7x:2x2x1
jax: 0.10.2.dev20260603
libtpu: 0.0.44.dev20260713+nightly
codegen_flags: <defaults>
</compile_context>

<pallas_src>
import dataclasses

import jax
import jax.numpy as jnp
from jax import lax
from jax.experimental import pallas as pl
from jax.experimental.pallas import tpu as pltpu
from jax.experimental.pallas import tpu_sc as plsc

B_BOX = 2
C_CLS = 20
LAMBDA_COORD = 5.0
LAMBDA_NOOBJ = 0.5
N_ELEM = B_BOX * 5 + C_CLS
BATCH = 4096
S = 7
FEAT = S * S * N_ELEM

SC_ROWS = 3072
TC_ROWS = BATCH - SC_ROWS

NC = 2
NS = 16
NW = NC * NS
L = 16
ROWS_PER_W = SC_ROWS // NW
CHUNK = 16
N_CHUNKS = ROWS_PER_W // CHUNK

PACK = 4
W = PACK * N_ELEM
WP = 128
N4 = TC_ROWS * S * S // PACK
TC_GRID = 28
TC_BLK = N4 // TC_GRID


def _splat(v):
    return jnp.full((L,), v, jnp.int32)


def _box_loss(pg, tg):
    d = [pg[k] - tg[k] for k in range(10)]
    s0 = d[0] * d[0] + d[1] * d[1] + d[2] * d[2] + d[3] * d[3]
    s1 = d[5] * d[5] + d[6] * d[6] + d[7] * d[7] + d[8] * d[8]
    c0 = d[4] * d[4]
    c1 = d[9] * d[9]

    def inter(px1, py1, px2, py2, tx1, ty1, tx2, ty2):
        w = jnp.maximum(jnp.minimum(px2, tx2) - jnp.maximum(px1, tx1), 0.0)
        h = jnp.maximum(jnp.minimum(py2, ty2) - jnp.maximum(py1, ty1), 0.0)
        return w * h

    ap0 = (pg[2] - pg[0]) * (pg[3] - pg[1])
    ap1 = (pg[7] - pg[5]) * (pg[8] - pg[6])
    at0 = (tg[2] - tg[0]) * (tg[3] - tg[1])
    at1 = (tg[7] - tg[5]) * (tg[8] - tg[6])
    i00 = inter(pg[0], pg[1], pg[2], pg[3], tg[0], tg[1], tg[2], tg[3])
    i10 = inter(pg[5], pg[6], pg[7], pg[8], tg[0], tg[1], tg[2], tg[3])
    i01 = inter(pg[0], pg[1], pg[2], pg[3], tg[5], tg[6], tg[7], tg[8])
    i11 = inter(pg[5], pg[6], pg[7], pg[8], tg[5], tg[6], tg[7], tg[8])
    d00 = ap0 + at0 - i00
    d10 = ap1 + at0 - i10
    d01 = ap0 + at1 - i01
    d11 = ap1 + at1 - i11

    dl0 = i10 * d00 - i00 * d10
    dl1 = i11 * d01 - i01 * d11
    m0 = jnp.where(d10 * d00 < 0.0, -dl0, dl0) > 0.0
    m1 = jnp.where(d11 * d01 < 0.0, -dl1, dl1) > 0.0

    coordf = jnp.where(tg[5] > 0.0, 1.0, 0.0)
    nw = jnp.where(tg[5] == 0.0, LAMBDA_NOOBJ, 0.0)
    r0 = jnp.where(~(m0 & m1), coordf, 0.0)
    r1 = jnp.where(m0 | m1, coordf, 0.0)

    return (
        LAMBDA_COORD * (r0 * s0 + r1 * s1)
        + r0 * c0 + r1 * c1
        + nw * (c0 + c1)
    )


def _compiler_params_sc():
    cp = pltpu.CompilerParams()
    if "needs_layout_passes" in pltpu.CompilerParams.__dataclass_fields__:
        cp = dataclasses.replace(cp, needs_layout_passes=False)
    return cp


def _sc_partials(pred2, targ2):
    mesh = plsc.VectorSubcoreMesh(core_axis_name="c", subcore_axis_name="s")

    @pl.kernel(
        out_type=jax.ShapeDtypeStruct((NW, L), jnp.float32),
        mesh=mesh,
        compiler_params=_compiler_params_sc(),
        scratch_types=[
            pltpu.VMEM((CHUNK, FEAT), jnp.float32),
            pltpu.VMEM((CHUNK, FEAT), jnp.float32),
            pltpu.VMEM((1, L), jnp.float32),
            pltpu.SemaphoreType.DMA,
        ],
    )
    def sc_kernel(p_hbm, t_hbm, o_hbm, p_v, t_v, acc_v, sem):
        wid = lax.axis_index("s") * NC + lax.axis_index("c")
        base = wid * ROWS_PER_W
        acc_v[0] = jnp.zeros((L,), jnp.float32)
        row_iota = lax.iota(jnp.int32, L)

        @pl.loop(0, N_CHUNKS)
        def _(ch):
            r0_ = base + ch * CHUNK
            cp1 = pltpu.async_copy(p_hbm.at[pl.ds(r0_, CHUNK)], p_v, sem)
            cp2 = pltpu.async_copy(t_hbm.at[pl.ds(r0_, CHUNK)], t_v, sem)
            cp1.wait()
            cp2.wait()

            @pl.loop(0, S)
            def _(j1):
                @pl.loop(0, S)
                def _(j2):
                    cbase = (j1 * S + j2) * N_ELEM
                    pg = [
                        plsc.load_gather(p_v, [row_iota, _splat(cbase + k)])
                        for k in range(10)
                    ]
                    tg = [
                        plsc.load_gather(t_v, [row_iota, _splat(cbase + k)])
                        for k in range(10)
                    ]
                    box = _box_loss(pg, tg)
                    coordf = jnp.where(tg[5] > 0.0, 1.0, 0.0)
                    cls = None
                    for k in range(10, 30):
                        pk = plsc.load_gather(p_v, [row_iota, _splat(cbase + k)])
                        tk = plsc.load_gather(t_v, [row_iota, _splat(cbase + k)])
                        dd = pk - tk
                        dd = dd * dd
                        cls = dd if cls is None else cls + dd
                    acc_v[0] = acc_v[0] + box + coordf * cls

        pltpu.sync_copy(acc_v, o_hbm.at[pl.ds(wid, 1)])

    return sc_kernel(pred2, targ2)


def _rl(x, k):
    return pltpu.roll(x, WP - k, 1)


def _tc_block_body(p_ref, t_ref, o_ref):
    zpad = jnp.zeros((TC_BLK, WP - W), jnp.float32)
    x = jnp.concatenate([p_ref[...], zpad], axis=1)
    y = jnp.concatenate([t_ref[...], zpad], axis=1)

    d = x - y
    d2 = d * d
    s1 = d2 + _rl(d2, 1)
    s2 = s1 + _rl(s1, 2)
    s4 = s2 + _rl(s2, 4)
    s8 = s4 + _rl(s4, 8)
    s_box0 = s2
    s_box1 = _rl(s2, 5)
    s_class = _rl(s8, 10) + _rl(s2, 26)
    c0 = _rl(d2, 4)
    c1 = _rl(d2, 9)

    x2, x5, x7 = _rl(x, 2), _rl(x, 5), _rl(x, 7)
    y2, y5, y7 = _rl(y, 2), _rl(y, 5), _rl(y, 7)

    def wh(ahi, bhi, alo, blo):
        return jnp.maximum(jnp.minimum(ahi, bhi) - jnp.maximum(alo, blo), 0.0)

    wh_c = wh(x2, y2, x, y)
    wh_a = wh(x7, y2, x5, y)
    wh_b = wh(x2, y7, x, y5)
    i_c = wh_c * _rl(wh_c, 1)
    i_a = wh_a * _rl(wh_a, 1)
    i_b = wh_b * _rl(wh_b, 1)

    ex = x2 - x
    ap = ex * _rl(ex, 1)
    ey = y2 - y
    at = ey * _rl(ey, 1)
    ap5 = _rl(ap, 5)
    at5 = _rl(at, 5)

    d_c = ap + at - i_c
    d_a = ap5 + at - i_a
    d_b = ap + at5 - i_b
    i_c5 = _rl(i_c, 5)
    d_c5 = _rl(d_c, 5)

    dl0 = i_a * d_c - i_c * d_a
    dl1 = i_c5 * d_b - i_b * d_c5
    m0 = jnp.where(d_a * d_c < 0.0, -dl0, dl0) > 0.0
    m1 = jnp.where(d_c5 * d_b < 0.0, -dl1, dl1) > 0.0

    coordf = jnp.where(y5 > 0.0, 1.0, 0.0)
    nw = jnp.where(y5 == 0.0, LAMBDA_NOOBJ, 0.0)
    r0 = jnp.where(~(m0 & m1), coordf, 0.0)
    r1 = jnp.where(m0 | m1, coordf, 0.0)

    per_cell = (
        LAMBDA_COORD * (r0 * s_box0 + r1 * s_box1)
        + r0 * c0 + r1 * c1
        + nw * (c0 + c1)
        + coordf * s_class
    )
    lane = jax.lax.broadcasted_iota(jnp.int32, (TC_BLK, WP), 1)
    masked = jnp.where((lane % N_ELEM == 0) & (lane < W), per_cell, 0.0)
    o_ref[...] = jnp.sum(masked).reshape(1, 1, 1)


def _tc_partials(p4, t4):
    return pl.pallas_call(
        _tc_block_body,
        grid=(TC_GRID,),
        in_specs=[
            pl.BlockSpec((TC_BLK, W), lambda i: (i, 0)),
            pl.BlockSpec((TC_BLK, W), lambda i: (i, 0)),
        ],
        out_specs=pl.BlockSpec((1, 1, 1), lambda i: (i, 0, 0)),
        out_shape=jax.ShapeDtypeStruct((TC_GRID, 1, 1), jnp.float32),
    )(p4, t4)


def kernel(pred_tensor, target_tensor):
    targ2 = target_tensor.reshape(BATCH, FEAT)
    tc_part = _tc_partials(
        pred_tensor[SC_ROWS:].reshape(N4, W),
        targ2[SC_ROWS:].reshape(N4, W),
    )
    sc_part = _sc_partials(pred_tensor[:SC_ROWS], targ2[:SC_ROWS])
    return jnp.sum(sc_part) + jnp.sum(tc_part)

# --- scband reference (transcript-rebuilt; emitter-appended) ---
"""Pipeline reference for scband-yolo-loss-14671608283137 (READ-ONLY COPY).

The authoritative reference and input builder live on the scoring server;
editing this copy changes nothing except your own understanding.
"""

import jax, jax.numpy as jnp
import numpy as np

B_BOX = 2
C_CLS = 20
LAMBDA_COORD = 5.0
LAMBDA_NOOBJ = 0.5
N_ELEM = B_BOX * 5 + C_CLS
BATCH = 4096
S = 7


def setup_inputs(seed: int = 0):
    key = jax.random.key(seed)
    k1, k2 = jax.random.split(key)
    pred_tensor = jax.random.uniform(k1, (BATCH, S * S * N_ELEM), dtype=jnp.float32)
    target_tensor = jax.random.uniform(k2, (BATCH, S, S, N_ELEM), dtype=jnp.float32)
    return {"pred_tensor": pred_tensor, "target_tensor": target_tensor}


def _compute_iou(box1, box2):
    # box1: [..., N, 4] (pred), box2: [..., M, 4] (target) -> iou [..., N, M]
    lt = jnp.maximum(box1[..., :, None, :2], box2[..., None, :, :2])
    rb = jnp.minimum(box1[..., :, None, 2:4], box2[..., None, :, 2:4])
    wh = jnp.clip(rb - lt, 0.0, None)
    inter = wh[..., 0] * wh[..., 1]
    area1 = (box1[..., 2] - box1[..., 0]) * (box1[..., 3] - box1[..., 1])
    area2 = (box2[..., 2] - box2[..., 0]) * (box2[..., 3] - box2[..., 1])
    return inter / (area1[..., :, None] + area2[..., None, :] - inter)


def _yolo_loss(pred_tensor, target_tensor):
    batch = target_tensor.shape[0]
    target = target_tensor.reshape(batch, -1, N_ELEM)
    pred = pred_tensor.reshape(batch, -1, N_ELEM)
    n_cells = target.shape[1]
    # cell-level masks (torch: target[:, :, 5] > 0 / == 0), applied as 0/1 weights
    coord_w = (target[:, :, 5] > 0).astype(jnp.float32)
    noobj_w = (target[:, :, 5] == 0).astype(jnp.float32)
    # class loss: sum of squared diffs over coord cells (mse_loss size_average=False)
    class_diff = pred[:, :, B_BOX * 5:] - target[:, :, B_BOX * 5:]
    class_loss = jnp.sum(coord_w[:, :, None] * class_diff ** 2)
    # noobj loss: confidence columns i*5+4 over noobj cells
    conf_cols = jnp.array([i * 5 + 4 for i in range(B_BOX)])
    noobj_diff = pred[:, :, conf_cols] - target[:, :, conf_cols]
    noobj_loss = jnp.sum(noobj_w[:, :, None] * noobj_diff ** 2)
    # responsible-box selection per coord cell (torch loop over groups of B boxes, vectorized)
    box_pred = pred[:, :, :B_BOX * 5].reshape(batch, n_cells, B_BOX, 5)
    box_targ = target[:, :, :B_BOX * 5].reshape(batch, n_cells, B_BOX, 5)
    iou = _compute_iou(box_pred[..., :4], box_targ[..., :4])  # [batch, cells, B_pred, B_targ]
    max_idx = jnp.argmax(iou, axis=-2)  # iou.max(0): best pred box per target box, [batch, cells, B]
    resp = jnp.zeros((batch, n_cells, B_BOX), dtype=jnp.float32)
    bidx = jnp.arange(batch)[:, None, None]
    cidx = jnp.arange(n_cells)[None, :, None]
    resp = resp.at[bidx, cidx, max_idx].set(1.0)  # idempotent set matches torch ByteTensor mask
    resp = jax.lax.stop_gradient(resp) * coord_w[:, :, None]
    diff = box_pred - box_targ
    contain_loss = jnp.sum(resp * diff[..., 4] ** 2)
    loc_loss = jnp.sum(resp[..., None] * diff[..., :2] ** 2) + jnp.sum(resp[..., None] * diff[..., 2:4] ** 2)
    total_loss = LAMBDA_COORD * loc_loss + contain_loss + LAMBDA_NOOBJ * noobj_loss + class_loss
    return total_loss


def reference(pred_tensor, target_tensor):
    return _yolo_loss(pred_tensor, target_tensor)

if __name__ == "__main__":
    import jax
    _d = setup_inputs()
    print(jax.jit(kernel)(*tuple(_d.values())))

</pallas_src>

<mosaic_0001>
#map = affine_map<(d0, d1) -> (0, 0)>
module attributes {stable_mosaic.version = 14 : i64} {
  func.func @sc_kernel(%arg0: i32, %arg1: i32, %arg2: memref<3072x1470xf32, #tpu.memory_space<hbm>>, %arg3: memref<3072x1470xf32, #tpu.memory_space<hbm>>, %arg4: memref<32x16xf32, #tpu.memory_space<hbm>>, %arg5: memref<16x1470xf32, #tpu.memory_space<vmem>>, %arg6: memref<16x1470xf32, #tpu.memory_space<vmem>>, %arg7: memref<1x16xf32, #tpu.memory_space<vmem>>, %arg8: memref<!tpu.dma_semaphore, #tpu.memory_space<semaphore_mem>>) attributes {dimension_semantics = [#tpu.dimension_semantics<core_parallel>, #tpu.dimension_semantics<subcore_parallel>], iteration_bounds = array<i64: 2, 16>, scalar_prefetch = 0 : i64, scratch_operands = 4 : i64, tpu.core_type = #tpu.core_type<sc_vector_subcore>, window_params = [{transform_indices = #map}, {transform_indices = #map}, {transform_indices = #map}]} {
    %mul3A = arith.constant 2 : i32
    %mul3A_0 = arith.muli %arg1, %mul3A : i32
    %add3A = arith.addi %mul3A_0, %arg0 : i32
    %mul3A_1 = arith.constant 96 : i32
    %mul3A_2 = arith.muli %add3A, %mul3A_1 : i32
    %broadcast_in_dim3A = arith.constant 0.000000e+00 : f32
    %broadcast_in_dim3A_3 = vector.broadcast %broadcast_in_dim3A : f32 to vector<16xf32>
    %swap3A = arith.constant 0 : i32
    %swap3A_4 = arith.index_cast %swap3A : i32 to index
    %swap3A_5 = arith.constant 0 : index
    %swap3A_6 = tpu.vector_load %arg7[%swap3A_4, %swap3A_5] {strides = array<i32>} : memref<1x16xf32, #tpu.memory_space<vmem>>, vector<16xf32>,
    tpu.vector_store %arg7[%swap3A_4, %swap3A_5], %broadcast_in_dim3A_3 {strides = array<i32>} : memref<1x16xf32, #tpu.memory_space<vmem>>, vector<16xf32>,
    %iota3A = tpu.iota {dimensions = array<i32: 0>} : vector<16xi32>
    %scan3A = arith.constant 0 : i32
    %scan3A_7 = arith.constant 6 : i32
    %scan3A_8 = arith.addi %scan3A, %scan3A_7 : i32
    %scan3A_9 = arith.constant 1 : i32
    scf.for %scan3A_11 = %scan3A to %scan3A_8 step %scan3A_9  : i32 {
      %mul3A_12 = arith.constant 1 : i32
      %mul3A_13 = arith.muli %scan3A_11, %mul3A_12 : i32
      %add3A_14 = arith.constant 0 : i32
      %add3A_15 = arith.addi %add3A_14, %mul3A_13 : i32
      %mul3A_16 = arith.constant 16 : i32
      %mul3A_17 = arith.muli %add3A_15, %mul3A_16 : i32
      %add3A_18 = arith.addi %mul3A_2, %mul3A_17 : i32
      %dma_start3A = arith.constant 0 : i32
      %dma_start3A_19 = tpu.memref_slice %arg2[%add3A_18, %dma_start3A] : memref<3072x1470xf32, #tpu.memory_space<hbm>> -> memref<16x1470xf32, #tpu.memory_space<hbm>>
      %dma_start3A_20 = arith.constant 0 : i32
      %dma_start3A_21 = tpu.memref_slice %arg2[%add3A_18, %dma_start3A_20] : memref<3072x1470xf32, #tpu.memory_space<hbm>> -> memref<16x1470xf32, #tpu.memory_space<hbm>>
      tpu.enqueue_dma source(%dma_start3A_21 : memref<16x1470xf32, #tpu.memory_space<hbm>>) target(%arg5 : memref<16x1470xf32, #tpu.memory_space<vmem>>) target_semaphore(%arg8 : memref<!tpu.dma_semaphore, #tpu.memory_space<semaphore_mem>>)
      %dma_start3A_22 = arith.constant 0 : i32
      %dma_start3A_23 = tpu.memref_slice %arg3[%add3A_18, %dma_start3A_22] : memref<3072x1470xf32, #tpu.memory_space<hbm>> -> memref<16x1470xf32, #tpu.memory_space<hbm>>
      %dma_start3A_24 = arith.constant 0 : i32
      %dma_start3A_25 = tpu.memref_slice %arg3[%add3A_18, %dma_start3A_24] : memref<3072x1470xf32, #tpu.memory_space<hbm>> -> memref<16x1470xf32, #tpu.memory_space<hbm>>
      tpu.enqueue_dma source(%dma_start3A_25 : memref<16x1470xf32, #tpu.memory_space<hbm>>) target(%arg6 : memref<16x1470xf32, #tpu.memory_space<vmem>>) target_semaphore(%arg8 : memref<!tpu.dma_semaphore, #tpu.memory_space<semaphore_mem>>)
      %dma_wait3A = arith.constant 0 : i32
      %dma_wait3A_26 = tpu.memref_slice %arg2[%add3A_18, %dma_wait3A] : memref<3072x1470xf32, #tpu.memory_space<hbm>> -> memref<16x1470xf32, #tpu.memory_space<hbm>>
      %dma_wait3A_27 = arith.constant 0 : i32
      %dma_wait3A_28 = tpu.memref_slice %arg2[%add3A_18, %dma_wait3A_27] : memref<3072x1470xf32, #tpu.memory_space<hbm>> -> memref<16x1470xf32, #tpu.memory_space<hbm>>
      tpu.wait_dma2 semaphore(%arg8 : memref<!tpu.dma_semaphore, #tpu.memory_space<semaphore_mem>>) src(%dma_wait3A_28 : memref<16x1470xf32, #tpu.memory_space<hbm>>) dst(%arg5 : memref<16x1470xf32, #tpu.memory_space<vmem>>)
      %dma_wait3A_29 = arith.constant 0 : i32
      %dma_wait3A_30 = tpu.memref_slice %arg3[%add3A_18, %dma_wait3A_29] : memref<3072x1470xf32, #tpu.memory_space<hbm>> -> memref<16x1470xf32, #tpu.memory_space<hbm>>
      %dma_wait3A_31 = arith.constant 0 : i32
      %dma_wait3A_32 = tpu.memref_slice %arg3[%add3A_18, %dma_wait3A_31] : memref<3072x1470xf32, #tpu.memory_space<hbm>> -> memref<16x1470xf32, #tpu.memory_space<hbm>>
      tpu.wait_dma2 semaphore(%arg8 : memref<!tpu.dma_semaphore, #tpu.memory_space<semaphore_mem>>) src(%dma_wait3A_32 : memref<16x1470xf32, #tpu.memory_space<hbm>>) dst(%arg6 : memref<16x1470xf32, #tpu.memory_space<vmem>>)
      %scan3A_33 = arith.constant 0 : i32
      %scan3A_34 = arith.constant 7 : i32
      %scan3A_35 = arith.addi %scan3A_33, %scan3A_34 : i32
      %scan3A_36 = arith.constant 1 : i32
      scf.for %scan3A_38 = %scan3A_33 to %scan3A_35 step %scan3A_36  : i32 {
        %mul3A_39 = arith.constant 1 : i32
        %mul3A_40 = arith.muli %scan3A_38, %mul3A_39 : i32
        %add3A_41 = arith.constant 0 : i32
        %add3A_42 = arith.addi %add3A_41, %mul3A_40 : i32
        %scan3A_43 = arith.constant 0 : i32
        %scan3A_44 = arith.constant 7 : i32
        %scan3A_45 = arith.addi %scan3A_43, %scan3A_44 : i32
        %scan3A_46 = arith.constant 1 : i32
        scf.for %scan3A_48 = %scan3A_43 to %scan3A_45 step %scan3A_46  : i32 {
          %mul3A_49 = arith.constant 1 : i32
          %mul3A_50 = arith.muli %scan3A_48, %mul3A_49 : i32
          %add3A_51 = arith.constant 0 : i32
          %add3A_52 = arith.addi %add3A_51, %mul3A_50 : i32
          %mul3A_53 = arith.constant 7 : i32
          %mul3A_54 = arith.muli %add3A_42, %mul3A_53 : i32
          %add3A_55 = arith.addi %mul3A_54, %add3A_52 : i32
          %mul3A_56 = arith.constant 30 : i32
          %mul3A_57 = arith.muli %add3A_55, %mul3A_56 : i32
          %add3A_58 = arith.constant 0 : i32
          %add3A_59 = arith.addi %mul3A_57, %add3A_58 : i32
          %broadcast_in_dim3A_60 = vector.broadcast %add3A_59 : i32 to vector<16xi32>
          %gather3A = tpu.vector_load_idx %arg5[%iota3A, %broadcast_in_dim3A_60] : memref<16x1470xf32, #tpu.memory_space<vmem>>[vector<16xi32>, vector<16xi32>], vector<16xf32>,
          %add3A_61 = arith.constant 1 : i32
          %add3A_62 = arith.addi %mul3A_57, %add3A_61 : i32
          %broadcast_in_dim3A_63 = vector.broadcast %add3A_62 : i32 to vector<16xi32>
          %gather3A_64 = tpu.vector_load_idx %arg5[%iota3A, %broadcast_in_dim3A_63] : memref<16x1470xf32, #tpu.memory_space<vmem>>[vector<16xi32>, vector<16xi32>], vector<16xf32>,
          %add3A_65 = arith.constant 2 : i32
          %add3A_66 = arith.addi %mul3A_57, %add3A_65 : i32
          %broadcast_in_dim3A_67 = vector.broadcast %add3A_66 : i32 to vector<16xi32>
          %gather3A_68 = tpu.vector_load_idx %arg5[%iota3A, %broadcast_in_dim3A_67] : memref<16x1470xf32, #tpu.memory_space<vmem>>[vector<16xi32>, vector<16xi32>], vector<16xf32>,
          %add3A_69 = arith.constant 3 : i32
          %add3A_70 = arith.addi %mul3A_57, %add3A_69 : i32
          %broadcast_in_dim3A_71 = vector.broadcast %add3A_70 : i32 to vector<16xi32>
          %gather3A_72 = tpu.vector_load_idx %arg5[%iota3A, %broadcast_in_dim3A_71] : memref<16x1470xf32, #tpu.memory_space<vmem>>[vector<16xi32>, vector<16xi32>], vector<16xf32>,
          %add3A_73 = arith.constant 4 : i32
          %add3A_74 = arith.addi %mul3A_57, %add3A_73 : i32
          %broadcast_in_dim3A_75 = vector.broadcast %add3A_74 : i32 to vector<16xi32>
          %gather3A_76 = tpu.vector_load_idx %arg5[%iota3A, %broadcast_in_dim3A_75] : memref<16x1470xf32, #tpu.memory_space<vmem>>[vector<16xi32>, vector<16xi32>], vector<16xf32>,
          %add3A_77 = arith.constant 5 : i32
          %add3A_78 = arith.addi %mul3A_57, %add3A_77 : i32
          %broadcast_in_dim3A_79 = vector.broadcast %add3A_78 : i32 to vector<16xi32>
          %gather3A_80 = tpu.vector_load_idx %arg5[%iota3A, %broadcast_in_dim3A_79] : memref<16x1470xf32, #tpu.memory_space<vmem>>[vector<16xi32>, vector<16xi32>], vector<16xf32>,
          %add3A_81 = arith.constant 6 : i32
          %add3A_82 = arith.addi %mul3A_57, %add3A_81 : i32
          %broadcast_in_dim3A_83 = vector.broadcast %add3A_82 : i32 to vector<16xi32>
          %gather3A_84 = tpu.vector_load_idx %arg5[%iota3A, %broadcast_in_dim3A_83] : memref<16x1470xf32, #tpu.memory_space<vmem>>[vector<16xi32>, vector<16xi32>], vector<16xf32>,
          %add3A_85 = arith.constant 7 : i32
          %add3A_86 = arith.addi %mul3A_57, %add3A_85 : i32
          %broadcast_in_dim3A_87 = vector.broadcast %add3A_86 : i32 to vector<16xi32>
          %gather3A_88 = tpu.vector_load_idx %arg5[%iota3A, %broadcast_in_dim3A_87] : memref<16x1470xf32, #tpu.memory_space<vmem>>[vector<16xi32>, vector<16xi32>], vector<16xf32>,
          %add3A_89 = arith.constant 8 : i32
          %add3A_90 = arith.addi %mul3A_57, %add3A_89 : i32
          %broadcast_in_dim3A_91 = vector.broadcast %add3A_90 : i32 to vector<16xi32>
          %gather3A_92 = tpu.vector_load_idx %arg5[%iota3A, %broadcast_in_dim3A_91] : memref<16x1470xf32, #tpu.memory_space<vmem>>[vector<16xi32>, vector<16xi32>], vector<16xf32>,
          %add3A_93 = arith.constant 9 : i32
          %add3A_94 = arith.addi %mul3A_57, %add3A_93 : i32
          %broadcast_in_dim3A_95 = vector.broadcast %add3A_94 : i32 to vector<16xi32>
          %gather3A_96 = tpu.vector_load_idx %arg5[%iota3A, %broadcast_in_dim3A_95] : memref<16x1470xf32, #tpu.memory_space<vmem>>[vector<16xi32>, vector<16xi32>], vector<16xf32>,
          %add3A_97 = arith.constant 0 : i32
          %add3A_98 = arith.addi %mul3A_57, %add3A_97 : i32
          %broadcast_in_dim3A_99 = vector.broadcast %add3A_98 : i32 to vector<16xi32>
          %gather3A_100 = tpu.vector_load_idx %arg6[%iota3A, %broadcast_in_dim3A_99] : memref<16x1470xf32, #tpu.memory_space<vmem>>[vector<16xi32>, vector<16xi32>], vector<16xf32>,
          %add3A_101 = arith.constant 1 : i32
          %add3A_102 = arith.addi %mul3A_57, %add3A_101 : i32
          %broadcast_in_dim3A_103 = vector.broadcast %add3A_102 : i32 to vector<16xi32>
          %gather3A_104 = tpu.vector_load_idx %arg6[%iota3A, %broadcast_in_dim3A_103] : memref<16x1470xf32, #tpu.memory_space<vmem>>[vector<16xi32>, vector<16xi32>], vector<16xf32>,
          %add3A_105 = arith.constant 2 : i32
          %add3A_106 = arith.addi %mul3A_57, %add3A_105 : i32
          %broadcast_in_dim3A_107 = vector.broadcast %add3A_106 : i32 to vector<16xi32>
          %gather3A_108 = tpu.vector_load_idx %arg6[%iota3A, %broadcast_in_dim3A_107] : memref<16x1470xf32, #tpu.memory_space<vmem>>[vector<16xi32>, vector<16xi32>], vector<16xf32>,
          %add3A_109 = arith.constant 3 : i32
          %add3A_110 = arith.addi %mul3A_57, %add3A_109 : i32
          %broadcast_in_dim3A_111 = vector.broadcast %add3A_110 : i32 to vector<16xi32>
          %gather3A_112 = tpu.vector_load_idx %arg6[%iota3A, %broadcast_in_dim3A_111] : memref<16x1470xf32, #tpu.memory_space<vmem>>[vector<16xi32>, vector<16xi32>], vector<16xf32>,
          %add3A_113 = arith.constant 4 : i32
          %add3A_114 = arith.addi %mul3A_57, %add3A_113 : i32
          %broadcast_in_dim3A_115 = vector.broadcast %add3A_114 : i32 to vector<16xi32>
          %gather3A_116 = tpu.vector_load_idx %arg6[%iota3A, %broadcast_in_dim3A_115] : memref<16x1470xf32, #tpu.memory_space<vmem>>[vector<16xi32>, vector<16xi32>], vector<16xf32>,
          %add3A_117 = arith.constant 5 : i32
          %add3A_118 = arith.addi %mul3A_57, %add3A_117 : i32
          %broadcast_in_dim3A_119 = vector.broadcast %add3A_118 : i32 to vector<16xi32>
          %gather3A_120 = tpu.vector_load_idx %arg6[%iota3A, %broadcast_in_dim3A_119] : memref<16x1470xf32, #tpu.memory_space<vmem>>[vector<16xi32>, vector<16xi32>], vector<16xf32>,
          %add3A_121 = arith.constant 6 : i32
          %add3A_122 = arith.addi %mul3A_57, %add3A_121 : i32
          %broadcast_in_dim3A_123 = vector.broadcast %add3A_122 : i32 to vector<16xi32>
          %gather3A_124 = tpu.vector_load_idx %arg6[%iota3A, %broadcast_in_dim3A_123] : memref<16x1470xf32, #tpu.memory_space<vmem>>[vector<16xi32>, vector<16xi32>], vector<16xf32>,
          %add3A_125 = arith.constant 7 : i32
          %add3A_126 = arith.addi %mul3A_57, %add3A_125 : i32
          %broadcast_in_dim3A_127 = vector.broadcast %add3A_126 : i32 to vector<16xi32>
          %gather3A_128 = tpu.vector_load_idx %arg6[%iota3A, %broadcast_in_dim3A_127] : memref<16x1470xf32, #tpu.memory_space<vmem>>[vector<16xi32>, vector<16xi32>], vector<16xf32>,
          %add3A_129 = arith.constant 8 : i32
          %add3A_130 = arith.addi %mul3A_57, %add3A_129 : i32
          %broadcast_in_dim3A_131 = vector.broadcast %add3A_130 : i32 to vector<16xi32>
          %gather3A_132 = tpu.vector_load_idx %arg6[%iota3A, %broadcast_in_dim3A_131] : memref<16x1470xf32, #tpu.memory_space<vmem>>[vector<16xi32>, vector<16xi32>], vector<16xf32>,
          %add3A_133 = arith.constant 9 : i32
          %add3A_134 = arith.addi %mul3A_57, %add3A_133 : i32
          %broadcast_in_dim3A_135 = vector.broadcast %add3A_134 : i32 to vector<16xi32>
          %gather3A_136 = tpu.vector_load_idx %arg6[%iota3A, %broadcast_in_dim3A_135] : memref<16x1470xf32, #tpu.memory_space<vmem>>[vector<16xi32>, vector<16xi32>], vector<16xf32>,
          %sub3A = arith.subf %gather3A, %gather3A_100 : vector<16xf32>
          %sub3A_137 = arith.subf %gather3A_64, %gather3A_104 : vector<16xf32>
          %sub3A_138 = arith.subf %gather3A_68, %gather3A_108 : vector<16xf32>
          %sub3A_139 = arith.subf %gather3A_72, %gather3A_112 : vector<16xf32>
          %sub3A_140 = arith.subf %gather3A_76, %gather3A_116 : vector<16xf32>
          %sub3A_141 = arith.subf %gather3A_80, %gather3A_120 : vector<16xf32>
          %sub3A_142 = arith.subf %gather3A_84, %gather3A_124 : vector<16xf32>
          %sub3A_143 = arith.subf %gather3A_88, %gather3A_128 : vector<16xf32>
          %sub3A_144 = arith.subf %gather3A_92, %gather3A_132 : vector<16xf32>
          %sub3A_145 = arith.subf %gather3A_96, %gather3A_136 : vector<16xf32>
          %mul3A_146 = arith.mulf %sub3A, %sub3A : vector<16xf32>
          %mul3A_147 = arith.mulf %sub3A_137, %sub3A_137 : vector<16xf32>
          %add3A_148 = arith.addf %mul3A_146, %mul3A_147 : vector<16xf32>
          %mul3A_149 = arith.mulf %sub3A_138, %sub3A_138 : vector<16xf32>
          %add3A_150 = arith.addf %add3A_148, %mul3A_149 : vector<16xf32>
          %mul3A_151 = arith.mulf %sub3A_139, %sub3A_139 : vector<16xf32>
          %add3A_152 = arith.addf %add3A_150, %mul3A_151 : vector<16xf32>
          %mul3A_153 = arith.mulf %sub3A_141, %sub3A_141 : vector<16xf32>
          %mul3A_154 = arith.mulf %sub3A_142, %sub3A_142 : vector<16xf32>
          %add3A_155 = arith.addf %mul3A_153, %mul3A_154 : vector<16xf32>
          %mul3A_156 = arith.mulf %sub3A_143, %sub3A_143 : vector<16xf32>
          %add3A_157 = arith.addf %add3A_155, %mul3A_156 : vector<16xf32>
          %mul3A_158 = arith.mulf %sub3A_144, %sub3A_144 : vector<16xf32>
          %add3A_159 = arith.addf %add3A_157, %mul3A_158 : vector<16xf32>
          %mul3A_160 = arith.mulf %sub3A_140, %sub3A_140 : vector<16xf32>
          %mul3A_161 = arith.mulf %sub3A_145, %sub3A_145 : vector<16xf32>
          %sub3A_162 = arith.subf %gather3A_68, %gather3A : vector<16xf32>
          %sub3A_163 = arith.subf %gather3A_72, %gather3A_64 : vector<16xf32>
          %mul3A_164 = arith.mulf %sub3A_162, %sub3A_163 : vector<16xf32>
          %sub3A_165 = arith.subf %gather3A_88, %gather3A_80 : vector<16xf32>
          %sub3A_166 = arith.subf %gather3A_92, %gather3A_84 : vector<16xf32>
          %mul3A_167 = arith.mulf %sub3A_165, %sub3A_166 : vector<16xf32>
          %sub3A_168 = arith.subf %gather3A_108, %gather3A_100 : vector<16xf32>
          %sub3A_169 = arith.subf %gather3A_112, %gather3A_104 : vector<16xf32>
          %mul3A_170 = arith.mulf %sub3A_168, %sub3A_169 : vector<16xf32>
          %sub3A_171 = arith.subf %gather3A_128, %gather3A_120 : vector<16xf32>
          %sub3A_172 = arith.subf %gather3A_132, %gather3A_124 : vector<16xf32>
          %mul3A_173 = arith.mulf %sub3A_171, %sub3A_172 : vector<16xf32>
          %min3A = arith.minimumf %gather3A_68, %gather3A_108 : vector<16xf32>
          %max3A = arith.maximumf %gather3A, %gather3A_100 : vector<16xf32>
          %sub3A_174 = arith.subf %min3A, %max3A : vector<16xf32>
          %max3A_175 = arith.constant 0.000000e+00 : f32
          %max3A_176 = vector.broadcast %max3A_175 : f32 to vector<16xf32>
          %max3A_177 = arith.maximumf %sub3A_174, %max3A_176 : vector<16xf32>
          %min3A_178 = arith.minimumf %gather3A_72, %gather3A_112 : vector<16xf32>
          %max3A_179 = arith.maximumf %gather3A_64, %gather3A_104 : vector<16xf32>
          %sub3A_180 = arith.subf %min3A_178, %max3A_179 : vector<16xf32>
          %max3A_181 = arith.constant 0.000000e+00 : f32
          %max3A_182 = vector.broadcast %max3A_181 : f32 to vector<16xf32>
          %max3A_183 = arith.maximumf %sub3A_180, %max3A_182 : vector<16xf32>
          %mul3A_184 = arith.mulf %max3A_177, %max3A_183 : vector<16xf32>
          %min3A_185 = arith.minimumf %gather3A_88, %gather3A_108 : vector<16xf32>
          %max3A_186 = arith.maximumf %gather3A_80, %gather3A_100 : vector<16xf32>
          %sub3A_187 = arith.subf %min3A_185, %max3A_186 : vector<16xf32>
          %max3A_188 = arith.constant 0.000000e+00 : f32
          %max3A_189 = vector.broadcast %max3A_188 : f32 to vector<16xf32>
          %max3A_190 = arith.maximumf %sub3A_187, %max3A_189 : vector<16xf32>
          %min3A_191 = arith.minimumf %gather3A_92, %gather3A_112 : vector<16xf32>
          %max3A_192 = arith.maximumf %gather3A_84, %gather3A_104 : vector<16xf32>
          %sub3A_193 = arith.subf %min3A_191, %max3A_192 : vector<16xf32>
          %max3A_194 = arith.constant 0.000000e+00 : f32
          %max3A_195 = vector.broadcast %max3A_194 : f32 to vector<16xf32>
          %max3A_196 = arith.maximumf %sub3A_193, %max3A_195 : vector<16xf32>
          %mul3A_197 = arith.mulf %max3A_190, %max3A_196 : vector<16xf32>
          %min3A_198 = arith.minimumf %gather3A_68, %gather3A_128 : vector<16xf32>
          %max3A_199 = arith.maximumf %gather3A, %gather3A_120 : vector<16xf32>
          %sub3A_200 = arith.subf %min3A_198, %max3A_199 : vector<16xf32>
          %max3A_201 = arith.constant 0.000000e+00 : f32
          %max3A_202 = vector.broadcast %max3A_201 : f32 to vector<16xf32>
          %max3A_203 = arith.maximumf %sub3A_200, %max3A_202 : vector<16xf32>
          %min3A_204 = arith.minimumf %gather3A_72, %gather3A_132 : vector<16xf32>
          %max3A_205 = arith.maximumf %gather3A_64, %gather3A_124 : vector<16xf32>
          %sub3A_206 = arith.subf %min3A_204, %max3A_205 : vector<16xf32>
          %max3A_207 = arith.constant 0.000000e+00 : f32
          %max3A_208 = vector.broadcast %max3A_207 : f32 to vector<16xf32>
          %max3A_209 = arith.maximumf %sub3A_206, %max3A_208 : vector<16xf32>
          %mul3A_210 = arith.mulf %max3A_203, %max3A_209 : vector<16xf32>
          %min3A_211 = arith.minimumf %gather3A_88, %gather3A_128 : vector<16xf32>
          %max3A_212 = arith.maximumf %gather3A_80, %gather3A_120 : vector<16xf32>
          %sub3A_213 = arith.subf %min3A_211, %max3A_212 : vector<16xf32>
          %max3A_214 = arith.constant 0.000000e+00 : f32
          %max3A_215 = vector.broadcast %max3A_214 : f32 to vector<16xf32>
          %max3A_216 = arith.maximumf %sub3A_213, %max3A_215 : vector<16xf32>
          %min3A_217 = arith.minimumf %gather3A_92, %gather3A_132 : vector<16xf32>
          %max3A_218 = arith.maximumf %gather3A_84, %gather3A_124 : vector<16xf32>
          %sub3A_219 = arith.subf %min3A_217, %max3A_218 : vector<16xf32>
          %max3A_220 = arith.constant 0.000000e+00 : f32
          %max3A_221 = vector.broadcast %max3A_220 : f32 to vector<16xf32>
          %max3A_222 = arith.maximumf %sub3A_219, %max3A_221 : vector<16xf32>
          %mul3A_223 = arith.mulf %max3A_216, %max3A_222 : vector<16xf32>
          %add3A_224 = arith.addf %mul3A_164, %mul3A_170 : vector<16xf32>
          %sub3A_225 = arith.subf %add3A_224, %mul3A_184 : vector<16xf32>
          %add3A_226 = arith.addf %mul3A_167, %mul3A_170 : vector<16xf32>
          %sub3A_227 = arith.subf %add3A_226, %mul3A_197 : vector<16xf32>
          %add3A_228 = arith.addf %mul3A_164, %mul3A_173 : vector<16xf32>
          %sub3A_229 = arith.subf %add3A_228, %mul3A_210 : vector<16xf32>
          %add3A_230 = arith.addf %mul3A_167, %mul3A_173 : vector<16xf32>
          %sub3A_231 = arith.subf %add3A_230, %mul3A_223 : vector<16xf32>
          %mul3A_232 = arith.mulf %mul3A_197, %sub3A_225 : vector<16xf32>
          %mul3A_233 = arith.mulf %mul3A_184, %sub3A_227 : vector<16xf32>
          %sub3A_234 = arith.subf %mul3A_232, %mul3A_233 : vector<16xf32>
          %mul3A_235 = arith.mulf %mul3A_223, %sub3A_229 : vector<16xf32>
          %mul3A_236 = arith.mulf %mul3A_210, %sub3A_231 : vector<16xf32>
          %sub3A_237 = arith.subf %mul3A_235, %mul3A_236 : vector<16xf32>
          %mul3A_238 = arith.mulf %sub3A_227, %sub3A_225 : vector<16xf32>
          %lt3A = arith.constant 0.000000e+00 : f32
          %lt3A_239 = vector.broadcast %lt3A : f32 to vector<16xf32>
          %lt3A_240 = arith.cmpf olt, %mul3A_238, %lt3A_239 : vector<16xf32>
          %neg3A = arith.constant 0.000000e+00 : f32
          %neg3A_241 = vector.broadcast %neg3A : f32 to vector<16xf32>
          %neg3A_242 = arith.subf %neg3A_241, %sub3A_234 : vector<16xf32>
          %select_n3A = arith.select %lt3A_240, %neg3A_242, %sub3A_234 : vector<16xi1>, vector<16xf32>
          %gt3A = arith.constant 0.000000e+00 : f32
          %gt3A_243 = vector.broadcast %gt3A : f32 to vector<16xf32>
          %gt3A_244 = arith.cmpf ogt, %select_n3A, %gt3A_243 : vector<16xf32>
          %mul3A_245 = arith.mulf %sub3A_231, %sub3A_229 : vector<16xf32>
          %lt3A_246 = arith.constant 0.000000e+00 : f32
          %lt3A_247 = vector.broadcast %lt3A_246 : f32 to vector<16xf32>
          %lt3A_248 = arith.cmpf olt, %mul3A_245, %lt3A_247 : vector<16xf32>
          %neg3A_249 = arith.constant 0.000000e+00 : f32
          %neg3A_250 = vector.broadcast %neg3A_249 : f32 to vector<16xf32>
          %neg3A_251 = arith.subf %neg3A_250, %sub3A_237 : vector<16xf32>
          %select_n3A_252 = arith.select %lt3A_248, %neg3A_251, %sub3A_237 : vector<16xi1>, vector<16xf32>
          %gt3A_253 = arith.constant 0.000000e+00 : f32
          %gt3A_254 = vector.broadcast %gt3A_253 : f32 to vector<16xf32>
          %gt3A_255 = arith.cmpf ogt, %select_n3A_252, %gt3A_254 : vector<16xf32>
          %gt3A_256 = arith.constant 0.000000e+00 : f32
          %gt3A_257 = vector.broadcast %gt3A_256 : f32 to vector<16xf32>
          %gt3A_258 = arith.cmpf ogt, %gather3A_120, %gt3A_257 : vector<16xf32>
          %jit3A = arith.constant 1.000000e+00 : f32
          %jit3A_259 = arith.constant 0.000000e+00 : f32
          %broadcast_in_dim3A_260 = vector.broadcast %jit3A : f32 to vector<16xf32>
          %broadcast_in_dim3A_261 = vector.broadcast %jit3A_259 : f32 to vector<16xf32>
          %select_n3A_262 = arith.select %gt3A_258, %broadcast_in_dim3A_260, %broadcast_in_dim3A_261 : vector<16xi1>, vector<16xf32>
          %eq3A = arith.constant 0.000000e+00 : f32
          %eq3A_263 = vector.broadcast %eq3A : f32 to vector<16xf32>
          %eq3A_264 = arith.cmpf oeq, %gather3A_120, %eq3A_263 : vector<16xf32>
          %jit3A_265 = arith.constant 5.000000e-01 : f32
          %jit3A_266 = arith.constant 0.000000e+00 : f32
          %broadcast_in_dim3A_267 = vector.broadcast %jit3A_265 : f32 to vector<16xf32>
          %broadcast_in_dim3A_268 = vector.broadcast %jit3A_266 : f32 to vector<16xf32>
          %select_n3A_269 = arith.select %eq3A_264, %broadcast_in_dim3A_267, %broadcast_in_dim3A_268 : vector<16xi1>, vector<16xf32>
          %and3A = arith.andi %gt3A_244, %gt3A_255 : vector<16xi1>
          %not3A = arith.constant dense<true> : vector<16xi1>
          %not3A_270 = arith.xori %and3A, %not3A : vector<16xi1>
          %jit3A_271 = arith.constant 0.000000e+00 : f32
          %broadcast_in_dim3A_272 = vector.broadcast %jit3A_271 : f32 to vector<16xf32>
          %select_n3A_273 = arith.select %not3A_270, %select_n3A_262, %broadcast_in_dim3A_272 : vector<16xi1>, vector<16xf32>
          %or3A = arith.ori %gt3A_244, %gt3A_255 : vector<16xi1>
          %jit3A_274 = arith.constant 0.000000e+00 : f32
          %broadcast_in_dim3A_275 = vector.broadcast %jit3A_274 : f32 to vector<16xf32>
          %select_n3A_276 = arith.select %or3A, %select_n3A_262, %broadcast_in_dim3A_275 : vector<16xi1>, vector<16xf32>
          %mul3A_277 = arith.mulf %select_n3A_273, %add3A_152 : vector<16xf32>
          %mul3A_278 = arith.mulf %select_n3A_276, %add3A_159 : vector<16xf32>
          %add3A_279 = arith.addf %mul3A_277, %mul3A_278 : vector<16xf32>
          %mul3A_280 = arith.constant 5.000000e+00 : f32
          %mul3A_281 = vector.broadcast %mul3A_280 : f32 to vector<16xf32>
          %mul3A_282 = arith.mulf %mul3A_281, %add3A_279 : vector<16xf32>
          %mul3A_283 = arith.mulf %select_n3A_273, %mul3A_160 : vector<16xf32>
          %add3A_284 = arith.addf %mul3A_282, %mul3A_283 : vector<16xf32>
          %mul3A_285 = arith.mulf %select_n3A_276, %mul3A_161 : vector<16xf32>
          %add3A_286 = arith.addf %add3A_284, %mul3A_285 : vector<16xf32>
          %add3A_287 = arith.addf %mul3A_160, %mul3A_161 : vector<16xf32>
          %mul3A_288 = arith.mulf %select_n3A_269, %add3A_287 : vector<16xf32>
          %add3A_289 = arith.addf %add3A_286, %mul3A_288 : vector<16xf32>
          %gt3A_290 = arith.constant 0.000000e+00 : f32
          %gt3A_291 = vector.broadcast %gt3A_290 : f32 to vector<16xf32>
          %gt3A_292 = arith.cmpf ogt, %gather3A_120, %gt3A_291 : vector<16xf32>
          %jit3A_293 = arith.constant 1.000000e+00 : f32
          %jit3A_294 = arith.constant 0.000000e+00 : f32
          %broadcast_in_dim3A_295 = vector.broadcast %jit3A_293 : f32 to vector<16xf32>
          %broadcast_in_dim3A_296 = vector.broadcast %jit3A_294 : f32 to vector<16xf32>
          %select_n3A_297 = arith.select %gt3A_292, %broadcast_in_dim3A_295, %broadcast_in_dim3A_296 : vector<16xi1>, vector<16xf32>
          %add3A_298 = arith.constant 10 : i32
          %add3A_299 = arith.addi %mul3A_57, %add3A_298 : i32
          %broadcast_in_dim3A_300 = vector.broadcast %add3A_299 : i32 to vector<16xi32>
          %gather3A_301 = tpu.vector_load_idx %arg5[%iota3A, %broadcast_in_dim3A_300] : memref<16x1470xf32, #tpu.memory_space<vmem>>[vector<16xi32>, vector<16xi32>], vector<16xf32>,
          %add3A_302 = arith.constant 10 : i32
          %add3A_303 = arith.addi %mul3A_57, %add3A_302 : i32
          %broadcast_in_dim3A_304 = vector.broadcast %add3A_303 : i32 to vector<16xi32>
          %gather3A_305 = tpu.vector_load_idx %arg6[%iota3A, %broadcast_in_dim3A_304] : memref<16x1470xf32, #tpu.memory_space<vmem>>[vector<16xi32>, vector<16xi32>], vector<16xf32>,
          %sub3A_306 = arith.subf %gather3A_301, %gather3A_305 : vector<16xf32>
          %mul3A_307 = arith.mulf %sub3A_306, %sub3A_306 : vector<16xf32>
          %add3A_308 = arith.constant 11 : i32
          %add3A_309 = arith.addi %mul3A_57, %add3A_308 : i32
          %broadcast_in_dim3A_310 = vector.broadcast %add3A_309 : i32 to vector<16xi32>
          %gather3A_311 = tpu.vector_load_idx %arg5[%iota3A, %broadcast_in_dim3A_310] : memref<16x1470xf32, #tpu.memory_space<vmem>>[vector<16xi32>, vector<16xi32>], vector<16xf32>,
          %add3A_312 = arith.constant 11 : i32
          %add3A_313 = arith.addi %mul3A_57, %add3A_312 : i32
          %broadcast_in_dim3A_314 = vector.broadcast %add3A_313 : i32 to vector<16xi32>
          %gather3A_315 = tpu.vector_load_idx %arg6[%iota3A, %broadcast_in_dim3A_314] : memref<16x1470xf32, #tpu.memory_space<vmem>>[vector<16xi32>, vector<16xi32>], vector<16xf32>,
          %sub3A_316 = arith.subf %gather3A_311, %gather3A_315 : vector<16xf32>
          %mul3A_317 = arith.mulf %sub3A_316, %sub3A_316 : vector<16xf32>
          %add3A_318 = arith.addf %mul3A_307, %mul3A_317 : vector<16xf32>
          %add3A_319 = arith.constant 12 : i32
          %add3A_320 = arith.addi %mul3A_57, %add3A_319 : i32
          %broadcast_in_dim3A_321 = vector.broadcast %add3A_320 : i32 to vector<16xi32>
          %gather3A_322 = tpu.vector_load_idx %arg5[%iota3A, %broadcast_in_dim3A_321] : memref<16x1470xf32, #tpu.memory_space<vmem>>[vector<16xi32>, vector<16xi32>], vector<16xf32>,
          %add3A_323 = arith.constant 12 : i32
          %add3A_324 = arith.addi %mul3A_57, %add3A_323 : i32
          %broadcast_in_dim3A_325 = vector.broadcast %add3A_324 : i32 to vector<16xi32>
          %gather3A_326 = tpu.vector_load_idx %arg6[%iota3A, %broadcast_in_dim3A_325] : memref<16x1470xf32, #tpu.memory_space<vmem>>[vector<16xi32>, vector<16xi32>], vector<16xf32>,
          %sub3A_327 = arith.subf %gather3A_322, %gather3A_326 : vector<16xf32>
          %mul3A_328 = arith.mulf %sub3A_327, %sub3A_327 : vector<16xf32>
          %add3A_329 = arith.addf %add3A_318, %mul3A_328 : vector<16xf32>
          %add3A_330 = arith.constant 13 : i32
          %add3A_331 = arith.addi %mul3A_57, %add3A_330 : i32
          %broadcast_in_dim3A_332 = vector.broadcast %add3A_331 : i32 to vector<16xi32>
          %gather3A_333 = tpu.vector_load_idx %arg5[%iota3A, %broadcast_in_dim3A_332] : memref<16x1470xf32, #tpu.memory_space<vmem>>[vector<16xi32>, vector<16xi32>], vector<16xf32>,
          %add3A_334 = arith.constant 13 : i32
          %add3A_335 = arith.addi %mul3A_57, %add3A_334 : i32
          %broadcast_in_dim3A_336 = vector.broadcast %add3A_335 : i32 to vector<16xi32>
          %gather3A_337 = tpu.vector_load_idx %arg6[%iota3A, %broadcast_in_dim3A_336] : memref<16x1470xf32, #tpu.memory_space<vmem>>[vector<16xi32>, vector<16xi32>], vector<16xf32>,
          %sub3A_338 = arith.subf %gather3A_333, %gather3A_337 : vector<16xf32>
          %mul3A_339 = arith.mulf %sub3A_338, %sub3A_338 : vector<16xf32>
          %add3A_340 = arith.addf %add3A_329, %mul3A_339 : vector<16xf32>
          %add3A_341 = arith.constant 14 : i32
          %add3A_342 = arith.addi %mul3A_57, %add3A_341 : i32
          %broadcast_in_dim3A_343 = vector.broadcast %add3A_342 : i32 to vector<16xi32>
          %gather3A_344 = tpu.vector_load_idx %arg5[%iota3A, %broadcast_in_dim3A_343] : memref<16x1470xf32, #tpu.memory_space<vmem>>[vector<16xi32>, vector<16xi32>], vector<16xf32>,
          %add3A_345 = arith.constant 14 : i32
          %add3A_346 = arith.addi %mul3A_57, %add3A_345 : i32
          %broadcast_in_dim3A_347 = vector.broadcast %add3A_346 : i32 to vector<16xi32>
          %gather3A_348 = tpu.vector_load_idx %arg6[%iota3A, %broadcast_in_dim3A_347] : memref<16x1470xf32, #tpu.memory_space<vmem>>[vector<16xi32>, vector<16xi32>], vector<16xf32>,
          %sub3A_349 = arith.subf %gather3A_344, %gather3A_348 : vector<16xf32>
          %mul3A_350 = arith.mulf %sub3A_349, %sub3A_349 : vector<16xf32>
          %add3A_351 = arith.addf %add3A_340, %mul3A_350 : vector<16xf32>
          %add3A_352 = arith.constant 15 : i32
          %add3A_353 = arith.addi %mul3A_57, %add3A_352 : i32
          %broadcast_in_dim3A_354 = vector.broadcast %add3A_353 : i32 to vector<16xi32>
          %gather3A_355 = tpu.vector_load_idx %arg5[%iota3A, %broadcast_in_dim3A_354] : memref<16x1470xf32, #tpu.memory_space<vmem>>[vector<16xi32>, vector<16xi32>], vector<16xf32>,
          %add3A_356 = arith.constant 15 : i32
          %add3A_357 = arith.addi %mul3A_57, %add3A_356 : i32
          %broadcast_in_dim3A_358 = vector.broadcast %add3A_357 : i32 to vector<16xi32>
          %gather3A_359 = tpu.vector_load_idx %arg6[%iota3A, %broadcast_in_dim3A_358] : memref<16x1470xf32, #tpu.memory_space<vmem>>[vector<16xi32>, vector<16xi32>], vector<16xf32>,
          %sub3A_360 = arith.subf %gather3A_355, %gather3A_359 : vector<16xf32>
          %mul3A_361 = arith.mulf %sub3A_360, %sub3A_360 : vector<16xf32>
          %add3A_362 = arith.addf %add3A_351, %mul3A_361 : vector<16xf32>
          %add3A_363 = arith.constant 16 : i32
          %add3A_364 = arith.addi %mul3A_57, %add3A_363 : i32
          %broadcast_in_dim3A_365 = vector.broadcast %add3A_364 : i32 to vector<16xi32>
          %gather3A_366 = tpu.vector_load_idx %arg5[%iota3A, %broadcast_in_dim3A_365] : memref<16x1470xf32, #tpu.memory_space<vmem>>[vector<16xi32>, vector<16xi32>], vector<16xf32>,
          %add3A_367 = arith.constant 16 : i32
          %add3A_368 = arith.addi %mul3A_57, %add3A_367 : i32
          %broadcast_in_dim3A_369 = vector.broadcast %add3A_368 : i32 to vector<16xi32>
          %gather3A_370 = tpu.vector_load_idx %arg6[%iota3A, %broadcast_in_dim3A_369] : memref<16x1470xf32, #tpu.memory_space<vmem>>[vector<16xi32>, vector<16xi32>], vector<16xf32>,
          %sub3A_371 = arith.subf %gather3A_366, %gather3A_370 : vector<16xf32>
          %mul3A_372 = arith.mulf %sub3A_371, %sub3A_371 : vector<16xf32>
          %add3A_373 = arith.addf %add3A_362, %mul3A_372 : vector<16xf32>
          %add3A_374 = arith.constant 17 : i32
          %add3A_375 = arith.addi %mul3A_57, %add3A_374 : i32
          %broadcast_in_dim3A_376 = vector.broadcast %add3A_375 : i32 to vector<16xi32>
          %gather3A_377 = tpu.vector_load_idx %arg5[%iota3A, %broadcast_in_dim3A_376] : memref<16x1470xf32, #tpu.memory_space<vmem>>[vector<16xi32>, vector<16xi32>], vector<16xf32>,
          %add3A_378 = arith.constant 17 : i32
          %add3A_379 = arith.addi %mul3A_57, %add3A_378 : i32
          %broadcast_in_dim3A_380 = vector.broadcast %add3A_379 : i32 to vector<16xi32>
          %gather3A_381 = tpu.vector_load_idx %arg6[%iota3A, %broadcast_in_dim3A_380] : memref<16x1470xf32, #tpu.memory_space<vmem>>[vector<16xi32>, vector<16xi32>], vector<16xf32>,
          %sub3A_382 = arith.subf %gather3A_377, %gather3A_381 : vector<16xf32>
          %mul3A_383 = arith.mulf %sub3A_382, %sub3A_382 : vector<16xf32>
          %add3A_384 = arith.addf %add3A_373, %mul3A_383 : vector<16xf32>
          %add3A_385 = arith.constant 18 : i32
          %add3A_386 = arith.addi %mul3A_57, %add3A_385 : i32
          %broadcast_in_dim3A_387 = vector.broadcast %add3A_386 : i32 to vector<16xi32>
          %gather3A_388 = tpu.vector_load_idx %arg5[%iota3A, %broadcast_in_dim3A_387] : memref<16x1470xf32, #tpu.memory_space<vmem>>[vector<16xi32>, vector<16xi32>], vector<16xf32>,
          %add3A_389 = arith.constant 18 : i32
          %add3A_390 = arith.addi %mul3A_57, %add3A_389 : i32
          %broadcast_in_dim3A_391 = vector.broadcast %add3A_390 : i32 to vector<16xi32>
          %gather3A_392 = tpu.vector_load_idx %arg6[%iota3A, %broadcast_in_dim3A_391] : memref<16x1470xf32, #tpu.memory_space<vmem>>[vector<16xi32>, vector<16xi32>], vector<16xf32>,
          %sub3A_393 = arith.subf %gather3A_388, %gather3A_392 : vector<16xf32>
          %mul3A_394 = arith.mulf %sub3A_393, %sub3A_393 : vector<16xf32>
          %add3A_395 = arith.addf %add3A_384, %mul3A_394 : vector<16xf32>
          %add3A_396 = arith.constant 19 : i32
          %add3A_397 = arith.addi %mul3A_57, %add3A_396 : i32
          %broadcast_in_dim3A_398 = vector.broadcast %add3A_397 : i32 to vector<16xi32>
          %gather3A_399 = tpu.vector_load_idx %arg5[%iota3A, %broadcast_in_dim3A_398] : memref<16x1470xf32, #tpu.memory_space<vmem>>[vector<16xi32>, vector<16xi32>], vector<16xf32>,
          %add3A_400 = arith.constant 19 : i32
          %add3A_401 = arith.addi %mul3A_57, %add3A_400 : i32
          %broadcast_in_dim3A_402 = vector.broadcast %add3A_401 : i32 to vector<16xi32>
          %gather3A_403 = tpu.vector_load_idx %arg6[%iota3A, %broadcast_in_dim3A_402] : memref<16x1470xf32, #tpu.memory_space<vmem>>[vector<16xi32>, vector<16xi32>], vector<16xf32>,
          %sub3A_404 = arith.subf %gather3A_399, %gather3A_403 : vector<16xf32>
          %mul3A_405 = arith.mulf %sub3A_404, %sub3A_404 : vector<16xf32>
          %add3A_406 = arith.addf %add3A_395, %mul3A_405 : vector<16xf32>
          %add3A_407 = arith.constant 20 : i32
          %add3A_408 = arith.addi %mul3A_57, %add3A_407 : i32
          %broadcast_in_dim3A_409 = vector.broadcast %add3A_408 : i32 to vector<16xi32>
          %gather3A_410 = tpu.vector_load_idx %arg5[%iota3A, %broadcast_in_dim3A_409] : memref<16x1470xf32, #tpu.memory_space<vmem>>[vector<16xi32>, vector<16xi32>], vector<16xf32>,
          %add3A_411 = arith.constant 20 : i32
          %add3A_412 = arith.addi %mul3A_57, %add3A_411 : i32
          %broadcast_in_dim3A_413 = vector.broadcast %add3A_412 : i32 to vector<16xi32>
          %gather3A_414 = tpu.vector_load_idx %arg6[%iota3A, %broadcast_in_dim3A_413] : memref<16x1470xf32, #tpu.memory_space<vmem>>[vector<16xi32>, vector<16xi32>], vector<16xf32>,
          %sub3A_415 = arith.subf %gather3A_410, %gather3A_414 : vector<16xf32>
          %mul3A_416 = arith.mulf %sub3A_415, %sub3A_415 : vector<16xf32>
          %add3A_417 = arith.addf %add3A_406, %mul3A_416 : vector<16xf32>
          %add3A_418 = arith.constant 21 : i32
          %add3A_419 = arith.addi %mul3A_57, %add3A_418 : i32
          %broadcast_in_dim3A_420 = vector.broadcast %add3A_419 : i32 to vector<16xi32>
          %gather3A_421 = tpu.vector_load_idx %arg5[%iota3A, %broadcast_in_dim3A_420] : memref<16x1470xf32, #tpu.memory_space<vmem>>[vector<16xi32>, vector<16xi32>], vector<16xf32>,
          %add3A_422 = arith.constant 21 : i32
          %add3A_423 = arith.addi %mul3A_57, %add3A_422 : i32
          %broadcast_in_dim3A_424 = vector.broadcast %add3A_423 : i32 to vector<16xi32>
          %gather3A_425 = tpu.vector_load_idx %arg6[%iota3A, %broadcast_in_dim3A_424] : memref<16x1470xf32, #tpu.memory_space<vmem>>[vector<16xi32>, vector<16xi32>], vector<16xf32>,
          %sub3A_426 = arith.subf %gather3A_421, %gather3A_425 : vector<16xf32>
          %mul3A_427 = arith.mulf %sub3A_426, %sub3A_426 : vector<16xf32>
          %add3A_428 = arith.addf %add3A_417, %mul3A_427 : vector<16xf32>
          %add3A_429 = arith.constant 22 : i32
          %add3A_430 = arith.addi %mul3A_57, %add3A_429 : i32
          %broadcast_in_dim3A_431 = vector.broadcast %add3A_430 : i32 to vector<16xi32>
          %gather3A_432 = tpu.vector_load_idx %arg5[%iota3A, %broadcast_in_dim3A_431] : memref<16x1470xf32, #tpu.memory_space<vmem>>[vector<16xi32>, vector<16xi32>], vector<16xf32>,
          %add3A_433 = arith.constant 22 : i32
          %add3A_434 = arith.addi %mul3A_57, %add3A_433 : i32
          %broadcast_in_dim3A_435 = vector.broadcast %add3A_434 : i32 to vector<16xi32>
          %gather3A_436 = tpu.vector_load_idx %arg6[%iota3A, %broadcast_in_dim3A_435] : memref<16x1470xf32, #tpu.memory_space<vmem>>[vector<16xi32>, vector<16xi32>], vector<16xf32>,
          %sub3A_437 = arith.subf %gather3A_432, %gather3A_436 : vector<16xf32>
          %mul3A_438 = arith.mulf %sub3A_437, %sub3A_437 : vector<16xf32>
          %add3A_439 = arith.addf %add3A_428, %mul3A_438 : vector<16xf32>
          %add3A_440 = arith.constant 23 : i32
          %add3A_441 = arith.addi %mul3A_57, %add3A_440 : i32
          %broadcast_in_dim3A_442 = vector.broadcast %add3A_441 : i32 to vector<16xi32>
          %gather3A_443 = tpu.vector_load_idx %arg5[%iota3A, %broadcast_in_dim3A_442] : memref<16x1470xf32, #tpu.memory_space<vmem>>[vector<16xi32>, vector<16xi32>], vector<16xf32>,
          %add3A_444 = arith.constant 23 : i32
          %add3A_445 = arith.addi %mul3A_57, %add3A_444 : i32
          %broadcast_in_dim3A_446 = vector.broadcast %add3A_445 : i32 to vector<16xi32>
          %gather3A_447 = tpu.vector_load_idx %arg6[%iota3A, %broadcast_in_dim3A_446] : memref<16x1470xf32, #tpu.memory_space<vmem>>[vector<16xi32>, vector<16xi32>], vector<16xf32>,
          %sub3A_448 = arith.subf %gather3A_443, %gather3A_447 : vector<16xf32>
          %mul3A_449 = arith.mulf %sub3A_448, %sub3A_448 : vector<16xf32>
          %add3A_450 = arith.addf %add3A_439, %mul3A_449 : vector<16xf32>
          %add3A_451 = arith.constant 24 : i32
          %add3A_452 = arith.addi %mul3A_57, %add3A_451 : i32
          %broadcast_in_dim3A_453 = vector.broadcast %add3A_452 : i32 to vector<16xi32>
          %gather3A_454 = tpu.vector_load_idx %arg5[%iota3A, %broadcast_in_dim3A_453] : memref<16x1470xf32, #tpu.memory_space<vmem>>[vector<16xi32>, vector<16xi32>], vector<16xf32>,
          %add3A_455 = arith.constant 24 : i32
          %add3A_456 = arith.addi %mul3A_57, %add3A_455 : i32
          %broadcast_in_dim3A_457 = vector.broadcast %add3A_456 : i32 to vector<16xi32>
          %gather3A_458 = tpu.vector_load_idx %arg6[%iota3A, %broadcast_in_dim3A_457] : memref<16x1470xf32, #tpu.memory_space<vmem>>[vector<16xi32>, vector<16xi32>], vector<16xf32>,
          %sub3A_459 = arith.subf %gather3A_454, %gather3A_458 : vector<16xf32>
          %mul3A_460 = arith.mulf %sub3A_459, %sub3A_459 : vector<16xf32>
          %add3A_461 = arith.addf %add3A_450, %mul3A_460 : vector<16xf32>
          %add3A_462 = arith.constant 25 : i32
          %add3A_463 = arith.addi %mul3A_57, %add3A_462 : i32
          %broadcast_in_dim3A_464 = vector.broadcast %add3A_463 : i32 to vector<16xi32>
          %gather3A_465 = tpu.vector_load_idx %arg5[%iota3A, %broadcast_in_dim3A_464] : memref<16x1470xf32, #tpu.memory_space<vmem>>[vector<16xi32>, vector<16xi32>], vector<16xf32>,
          %add3A_466 = arith.constant 25 : i32
          %add3A_467 = arith.addi %mul3A_57, %add3A_466 : i32
          %broadcast_in_dim3A_468 = vector.broadcast %add3A_467 : i32 to vector<16xi32>
          %gather3A_469 = tpu.vector_load_idx %arg6[%iota3A, %broadcast_in_dim3A_468] : memref<16x1470xf32, #tpu.memory_space<vmem>>[vector<16xi32>, vector<16xi32>], vector<16xf32>,
          %sub3A_470 = arith.subf %gather3A_465, %gather3A_469 : vector<16xf32>
          %mul3A_471 = arith.mulf %sub3A_470, %sub3A_470 : vector<16xf32>
          %add3A_472 = arith.addf %add3A_461, %mul3A_471 : vector<16xf32>
          %add3A_473 = arith.constant 26 : i32
          %add3A_474 = arith.addi %mul3A_57, %add3A_473 : i32
          %broadcast_in_dim3A_475 = vector.broadcast %add3A_474 : i32 to vector<16xi32>
          %gather3A_476 = tpu.vector_load_idx %arg5[%iota3A, %broadcast_in_dim3A_475] : memref<16x1470xf32, #tpu.memory_space<vmem>>[vector<16xi32>, vector<16xi32>], vector<16xf32>,
          %add3A_477 = arith.constant 26 : i32
          %add3A_478 = arith.addi %mul3A_57, %add3A_477 : i32
          %broadcast_in_dim3A_479 = vector.broadcast %add3A_478 : i32 to vector<16xi32>
          %gather3A_480 = tpu.vector_load_idx %arg6[%iota3A, %broadcast_in_dim3A_479] : memref<16x1470xf32, #tpu.memory_space<vmem>>[vector<16xi32>, vector<16xi32>], vector<16xf32>,
          %sub3A_481 = arith.subf %gather3A_476, %gather3A_480 : vector<16xf32>
          %mul3A_482 = arith.mulf %sub3A_481, %sub3A_481 : vector<16xf32>
          %add3A_483 = arith.addf %add3A_472, %mul3A_482 : vector<16xf32>
          %add3A_484 = arith.constant 27 : i32
          %add3A_485 = arith.addi %mul3A_57, %add3A_484 : i32
          %broadcast_in_dim3A_486 = vector.broadcast %add3A_485 : i32 to vector<16xi32>
          %gather3A_487 = tpu.vector_load_idx %arg5[%iota3A, %broadcast_in_dim3A_486] : memref<16x1470xf32, #tpu.memory_space<vmem>>[vector<16xi32>, vector<16xi32>], vector<16xf32>,
          %add3A_488 = arith.constant 27 : i32
          %add3A_489 = arith.addi %mul3A_57, %add3A_488 : i32
          %broadcast_in_dim3A_490 = vector.broadcast %add3A_489 : i32 to vector<16xi32>
          %gather3A_491 = tpu.vector_load_idx %arg6[%iota3A, %broadcast_in_dim3A_490] : memref<16x1470xf32, #tpu.memory_space<vmem>>[vector<16xi32>, vector<16xi32>], vector<16xf32>,
          %sub3A_492 = arith.subf %gather3A_487, %gather3A_491 : vector<16xf32>
          %mul3A_493 = arith.mulf %sub3A_492, %sub3A_492 : vector<16xf32>
          %add3A_494 = arith.addf %add3A_483, %mul3A_493 : vector<16xf32>
          %add3A_495 = arith.constant 28 : i32
          %add3A_496 = arith.addi %mul3A_57, %add3A_495 : i32
          %broadcast_in_dim3A_497 = vector.broadcast %add3A_496 : i32 to vector<16xi32>
          %gather3A_498 = tpu.vector_load_idx %arg5[%iota3A, %broadcast_in_dim3A_497] : memref<16x1470xf32, #tpu.memory_space<vmem>>[vector<16xi32>, vector<16xi32>], vector<16xf32>,
          %add3A_499 = arith.constant 28 : i32
          %add3A_500 = arith.addi %mul3A_57, %add3A_499 : i32
          %broadcast_in_dim3A_501 = vector.broadcast %add3A_500 : i32 to vector<16xi32>
          %gather3A_502 = tpu.vector_load_idx %arg6[%iota3A, %broadcast_in_dim3A_501] : memref<16x1470xf32, #tpu.memory_space<vmem>>[vector<16xi32>, vector<16xi32>], vector<16xf32>,
          %sub3A_503 = arith.subf %gather3A_498, %gather3A_502 : vector<16xf32>
          %mul3A_504 = arith.mulf %sub3A_503, %sub3A_503 : vector<16xf32>
          %add3A_505 = arith.addf %add3A_494, %mul3A_504 : vector<16xf32>
          %add3A_506 = arith.constant 29 : i32
          %add3A_507 = arith.addi %mul3A_57, %add3A_506 : i32
          %broadcast_in_dim3A_508 = vector.broadcast %add3A_507 : i32 to vector<16xi32>
          %gather3A_509 = tpu.vector_load_idx %arg5[%iota3A, %broadcast_in_dim3A_508] : memref<16x1470xf32, #tpu.memory_space<vmem>>[vector<16xi32>, vector<16xi32>], vector<16xf32>,
          %add3A_510 = arith.constant 29 : i32
          %add3A_511 = arith.addi %mul3A_57, %add3A_510 : i32
          %broadcast_in_dim3A_512 = vector.broadcast %add3A_511 : i32 to vector<16xi32>
          %gather3A_513 = tpu.vector_load_idx %arg6[%iota3A, %broadcast_in_dim3A_512] : memref<16x1470xf32, #tpu.memory_space<vmem>>[vector<16xi32>, vector<16xi32>], vector<16xf32>,
          %sub3A_514 = arith.subf %gather3A_509, %gather3A_513 : vector<16xf32>
          %mul3A_515 = arith.mulf %sub3A_514, %sub3A_514 : vector<16xf32>
          %add3A_516 = arith.addf %add3A_505, %mul3A_515 : vector<16xf32>
          %get3A = arith.constant 0 : i32
          %get3A_517 = arith.index_cast %get3A : i32 to index
          %get3A_518 = arith.constant 0 : index
          %get3A_519 = tpu.vector_load %arg7[%get3A_517, %get3A_518] {strides = array<i32>} : memref<1x16xf32, #tpu.memory_space<vmem>>, vector<16xf32>,
          %add3A_520 = arith.addf %get3A_519, %add3A_289 : vector<16xf32>
          %mul3A_521 = arith.mulf %select_n3A_297, %add3A_516 : vector<16xf32>
          %add3A_522 = arith.addf %add3A_520, %mul3A_521 : vector<16xf32>
          %swap3A_523 = arith.constant 0 : i32
          %swap3A_524 = arith.index_cast %swap3A_523 : i32 to index
          %swap3A_525 = arith.constant 0 : index
          %swap3A_526 = tpu.vector_load %arg7[%swap3A_524, %swap3A_525] {strides = array<i32>} : memref<1x16xf32, #tpu.memory_space<vmem>>, vector<16xf32>,
          tpu.vector_store %arg7[%swap3A_524, %swap3A_525], %add3A_522 {strides = array<i32>} : memref<1x16xf32, #tpu.memory_space<vmem>>, vector<16xf32>,
        }
        %scan3A_47 = arith.constant 7 : i32
      }
      %scan3A_37 = arith.constant 7 : i32
    }
    %scan3A_10 = arith.constant 6 : i32
    "tpu.region"() ({
      %run_scoped3A = tpu.sem_alloc : memref<!tpu.dma_semaphore, #tpu.memory_space<semaphore_mem>>
      %dma_start3A = arith.constant 0 : i32
      %dma_start3A_11 = tpu.memref_slice %arg4[%add3A, %dma_start3A] : memref<32x16xf32, #tpu.memory_space<hbm>> -> memref<1x16xf32, #tpu.memory_space<hbm>>
      %dma_start3A_12 = arith.constant 0 : i32
      %dma_start3A_13 = tpu.memref_slice %arg4[%add3A, %dma_start3A_12] : memref<32x16xf32, #tpu.memory_space<hbm>> -> memref<1x16xf32, #tpu.memory_space<hbm>>
      tpu.enqueue_dma source(%arg7 : memref<1x16xf32, #tpu.memory_space<vmem>>) target(%dma_start3A_13 : memref<1x16xf32, #tpu.memory_space<hbm>>) target_semaphore(%run_scoped3A : memref<!tpu.dma_semaphore, #tpu.memory_space<semaphore_mem>>)
      %dma_wait3A = arith.constant 0 : i32
      %dma_wait3A_14 = tpu.memref_slice %arg4[%add3A, %dma_wait3A] : memref<32x16xf32, #tpu.memory_space<hbm>> -> memref<1x16xf32, #tpu.memory_space<hbm>>
      %dma_wait3A_15 = arith.constant 0 : i32
      %dma_wait3A_16 = tpu.memref_slice %arg4[%add3A, %dma_wait3A_15] : memref<32x16xf32, #tpu.memory_space<hbm>> -> memref<1x16xf32, #tpu.memory_space<hbm>>
      tpu.wait_dma2 semaphore(%run_scoped3A : memref<!tpu.dma_semaphore, #tpu.memory_space<semaphore_mem>>) src(%arg7 : memref<1x16xf32, #tpu.memory_space<vmem>>) dst(%dma_wait3A_16 : memref<1x16xf32, #tpu.memory_space<hbm>>)
      tpu.yield
    }) : () -> ()
    return
  }
}

module attributes {stable_mosaic.version = 14 : i64} {
  func.func @_tc_block_body(%arg0: i32, %arg1: memref<448x120xf32, #tpu.memory_space<vmem>>, %arg2: memref<448x120xf32, #tpu.memory_space<vmem>>, %arg3: memref<1x1x1xf32, #tpu.memory_space<vmem>>) attributes {dimension_semantics = [#tpu.dimension_semantics<arbitrary>], iteration_bounds = array<i64: 28>, scalar_prefetch = 0 : i64, scratch_operands = 0 : i64, tpu.core_type = #tpu.core_type<tc>, window_params = [{transform_indices = @transform_0, window_bounds = array<i64: 448, 120>}, {transform_indices = @transform_1, window_bounds = array<i64: 448, 120>}, {transform_indices = @transform_2, window_bounds = array<i64: 1, 1, 1>}]} {
    %broadcast_in_dim3A = arith.constant 0.000000e+00 : f32
    %broadcast_in_dim3A_0 = vector.broadcast %broadcast_in_dim3A : f32 to vector<448x8xf32>
    %get3A = arith.constant 0 : index
    %get3A_1 = arith.constant 0 : index
    %get3A_2 = vector.load %arg1[%get3A, %get3A_1] : memref<448x120xf32, #tpu.memory_space<vmem>>, vector<448x120xf32>
    %concatenate3A = tpu.concatenate %get3A_2, %broadcast_in_dim3A_0 in 1 : vector<448x120xf32>, vector<448x8xf32> -> vector<448x128xf32>
    %get3A_3 = arith.constant 0 : index
    %get3A_4 = arith.constant 0 : index
    %get3A_5 = vector.load %arg2[%get3A_3, %get3A_4] : memref<448x120xf32, #tpu.memory_space<vmem>>, vector<448x120xf32>
    %concatenate3A_6 = tpu.concatenate %get3A_5, %broadcast_in_dim3A_0 in 1 : vector<448x120xf32>, vector<448x8xf32> -> vector<448x128xf32>
    %sub3A = arith.subf %concatenate3A, %concatenate3A_6 : vector<448x128xf32>
    %mul3A = arith.mulf %sub3A, %sub3A : vector<448x128xf32>
    %roll3A = arith.constant 127 : i32
    %roll3A_7 = tpu.dynamic_rotate %mul3A by %roll3A dim 1 : vector<448x128xf32>, i32 -> vector<448x128xf32>
    %add3A = arith.addf %mul3A, %roll3A_7 : vector<448x128xf32>
    %roll3A_8 = arith.constant 126 : i32
    %roll3A_9 = tpu.dynamic_rotate %add3A by %roll3A_8 dim 1 : vector<448x128xf32>, i32 -> vector<448x128xf32>
    %add3A_10 = arith.addf %add3A, %roll3A_9 : vector<448x128xf32>
    %roll3A_11 = arith.constant 124 : i32
    %roll3A_12 = tpu.dynamic_rotate %add3A_10 by %roll3A_11 dim 1 : vector<448x128xf32>, i32 -> vector<448x128xf32>
    %add3A_13 = arith.addf %add3A_10, %roll3A_12 : vector<448x128xf32>
    %roll3A_14 = arith.constant 120 : i32
    %roll3A_15 = tpu.dynamic_rotate %add3A_13 by %roll3A_14 dim 1 : vector<448x128xf32>, i32 -> vector<448x128xf32>
    %add3A_16 = arith.addf %add3A_13, %roll3A_15 : vector<448x128xf32>
    %roll3A_17 = arith.constant 123 : i32
    %roll3A_18 = tpu.dynamic_rotate %add3A_10 by %roll3A_17 dim 1 : vector<448x128xf32>, i32 -> vector<448x128xf32>
    %roll3A_19 = arith.constant 118 : i32
    %roll3A_20 = tpu.dynamic_rotate %add3A_16 by %roll3A_19 dim 1 : vector<448x128xf32>, i32 -> vector<448x128xf32>
    %roll3A_21 = arith.constant 102 : i32
    %roll3A_22 = tpu.dynamic_rotate %add3A_10 by %roll3A_21 dim 1 : vector<448x128xf32>, i32 -> vector<448x128xf32>
    %add3A_23 = arith.addf %roll3A_20, %roll3A_22 : vector<448x128xf32>
    %roll3A_24 = arith.constant 124 : i32
    %roll3A_25 = tpu.dynamic_rotate %mul3A by %roll3A_24 dim 1 : vector<448x128xf32>, i32 -> vector<448x128xf32>
    %roll3A_26 = arith.constant 119 : i32
    %roll3A_27 = tpu.dynamic_rotate %mul3A by %roll3A_26 dim 1 : vector<448x128xf32>, i32 -> vector<448x128xf32>
    %roll3A_28 = arith.constant 126 : i32
    %roll3A_29 = tpu.dynamic_rotate %concatenate3A by %roll3A_28 dim 1 : vector<448x128xf32>, i32 -> vector<448x128xf32>
    %roll3A_30 = arith.constant 123 : i32
    %roll3A_31 = tpu.dynamic_rotate %concatenate3A by %roll3A_30 dim 1 : vector<448x128xf32>, i32 -> vector<448x128xf32>
    %roll3A_32 = arith.constant 121 : i32
    %roll3A_33 = tpu.dynamic_rotate %concatenate3A by %roll3A_32 dim 1 : vector<448x128xf32>, i32 -> vector<448x128xf32>
    %roll3A_34 = arith.constant 126 : i32
    %roll3A_35 = tpu.dynamic_rotate %concatenate3A_6 by %roll3A_34 dim 1 : vector<448x128xf32>, i32 -> vector<448x128xf32>
    %roll3A_36 = arith.constant 123 : i32
    %roll3A_37 = tpu.dynamic_rotate %concatenate3A_6 by %roll3A_36 dim 1 : vector<448x128xf32>, i32 -> vector<448x128xf32>
    %roll3A_38 = arith.constant 121 : i32
    %roll3A_39 = tpu.dynamic_rotate %concatenate3A_6 by %roll3A_38 dim 1 : vector<448x128xf32>, i32 -> vector<448x128xf32>
    %min3A = arith.minimumf %roll3A_29, %roll3A_35 : vector<448x128xf32>
    %max3A = arith.maximumf %concatenate3A, %concatenate3A_6 : vector<448x128xf32>
    %sub3A_40 = arith.subf %min3A, %max3A : vector<448x128xf32>
    %max3A_41 = arith.constant 0.000000e+00 : f32
    %max3A_42 = vector.broadcast %max3A_41 : f32 to vector<448x128xf32>
    %max3A_43 = arith.maximumf %sub3A_40, %max3A_42 : vector<448x128xf32>
    %min3A_44 = arith.minimumf %roll3A_33, %roll3A_35 : vector<448x128xf32>
    %max3A_45 = arith.maximumf %roll3A_31, %concatenate3A_6 : vector<448x128xf32>
    %sub3A_46 = arith.subf %min3A_44, %max3A_45 : vector<448x128xf32>
    %max3A_47 = arith.constant 0.000000e+00 : f32
    %max3A_48 = vector.broadcast %max3A_47 : f32 to vector<448x128xf32>
    %max3A_49 = arith.maximumf %sub3A_46, %max3A_48 : vector<448x128xf32>
    %min3A_50 = arith.minimumf %roll3A_29, %roll3A_39 : vector<448x128xf32>
    %max3A_51 = arith.maximumf %concatenate3A, %roll3A_37 : vector<448x128xf32>
    %sub3A_52 = arith.subf %min3A_50, %max3A_51 : vector<448x128xf32>
    %max3A_53 = arith.constant 0.000000e+00 : f32
    %max3A_54 = vector.broadcast %max3A_53 : f32 to vector<448x128xf32>
    %max3A_55 = arith.maximumf %sub3A_52, %max3A_54 : vector<448x128xf32>
    %roll3A_56 = arith.constant 127 : i32
    %roll3A_57 = tpu.dynamic_rotate %max3A_43 by %roll3A_56 dim 1 : vector<448x128xf32>, i32 -> vector<448x128xf32>
    %mul3A_58 = arith.mulf %max3A_43, %roll3A_57 : vector<448x128xf32>
    %roll3A_59 = arith.constant 127 : i32
    %roll3A_60 = tpu.dynamic_rotate %max3A_49 by %roll3A_59 dim 1 : vector<448x128xf32>, i32 -> vector<448x128xf32>
    %mul3A_61 = arith.mulf %max3A_49, %roll3A_60 : vector<448x128xf32>
    %roll3A_62 = arith.constant 127 : i32
    %roll3A_63 = tpu.dynamic_rotate %max3A_55 by %roll3A_62 dim 1 : vector<448x128xf32>, i32 -> vector<448x128xf32>
    %mul3A_64 = arith.mulf %max3A_55, %roll3A_63 : vector<448x128xf32>
    %sub3A_65 = arith.subf %roll3A_29, %concatenate3A : vector<448x128xf32>
    %roll3A_66 = arith.constant 127 : i32
    %roll3A_67 = tpu.dynamic_rotate %sub3A_65 by %roll3A_66 dim 1 : vector<448x128xf32>, i32 -> vector<448x128xf32>
    %mul3A_68 = arith.mulf %sub3A_65, %roll3A_67 : vector<448x128xf32>
    %sub3A_69 = arith.subf %roll3A_35, %concatenate3A_6 : vector<448x128xf32>
    %roll3A_70 = arith.constant 127 : i32
    %roll3A_71 = tpu.dynamic_rotate %sub3A_69 by %roll3A_70 dim 1 : vector<448x128xf32>, i32 -> vector<448x128xf32>
    %mul3A_72 = arith.mulf %sub3A_69, %roll3A_71 : vector<448x128xf32>
    %roll3A_73 = arith.constant 123 : i32
    %roll3A_74 = tpu.dynamic_rotate %mul3A_68 by %roll3A_73 dim 1 : vector<448x128xf32>, i32 -> vector<448x128xf32>
    %roll3A_75 = arith.constant 123 : i32
    %roll3A_76 = tpu.dynamic_rotate %mul3A_72 by %roll3A_75 dim 1 : vector<448x128xf32>, i32 -> vector<448x128xf32>
    %add3A_77 = arith.addf %mul3A_68, %mul3A_72 : vector<448x128xf32>
    %sub3A_78 = arith.subf %add3A_77, %mul3A_58 : vector<448x128xf32>
    %add3A_79 = arith.addf %roll3A_74, %mul3A_72 : vector<448x128xf32>
    %sub3A_80 = arith.subf %add3A_79, %mul3A_61 : vector<448x128xf32>
    %add3A_81 = arith.addf %mul3A_68, %roll3A_76 : vector<448x128xf32>
    %sub3A_82 = arith.subf %add3A_81, %mul3A_64 : vector<448x128xf32>
    %roll3A_83 = arith.constant 123 : i32
    %roll3A_84 = tpu.dynamic_rotate %mul3A_58 by %roll3A_83 dim 1 : vector<448x128xf32>, i32 -> vector<448x128xf32>
    %roll3A_85 = arith.constant 123 : i32
    %roll3A_86 = tpu.dynamic_rotate %sub3A_78 by %roll3A_85 dim 1 : vector<448x128xf32>, i32 -> vector<448x128xf32>
    %mul3A_87 = arith.mulf %mul3A_61, %sub3A_78 : vector<448x128xf32>
    %mul3A_88 = arith.mulf %mul3A_58, %sub3A_80 : vector<448x128xf32>
    %sub3A_89 = arith.subf %mul3A_87, %mul3A_88 : vector<448x128xf32>
    %mul3A_90 = arith.mulf %roll3A_84, %sub3A_82 : vector<448x128xf32>
    %mul3A_91 = arith.mulf %mul3A_64, %roll3A_86 : vector<448x128xf32>
    %sub3A_92 = arith.subf %mul3A_90, %mul3A_91 : vector<448x128xf32>
    %mul3A_93 = arith.mulf %sub3A_80, %sub3A_78 : vector<448x128xf32>
    %lt3A = arith.constant 0.000000e+00 : f32
    %lt3A_94 = vector.broadcast %lt3A : f32 to vector<448x128xf32>
    %lt3A_95 = arith.cmpf olt, %mul3A_93, %lt3A_94 : vector<448x128xf32>
    %neg3A = arith.constant 0.000000e+00 : f32
    %neg3A_96 = vector.broadcast %neg3A : f32 to vector<448x128xf32>
    %neg3A_97 = arith.subf %neg3A_96, %sub3A_89 : vector<448x128xf32>
    %select_n3A = arith.select %lt3A_95, %neg3A_97, %sub3A_89 : vector<448x128xi1>, vector<448x128xf32>
    %gt3A = arith.constant 0.000000e+00 : f32
    %gt3A_98 = vector.broadcast %gt3A : f32 to vector<448x128xf32>
    %gt3A_99 = arith.cmpf ogt, %select_n3A, %gt3A_98 : vector<448x128xf32>
    %mul3A_100 = arith.mulf %roll3A_86, %sub3A_82 : vector<448x128xf32>
    %lt3A_101 = arith.constant 0.000000e+00 : f32
    %lt3A_102 = vector.broadcast %lt3A_101 : f32 to vector<448x128xf32>
    %lt3A_103 = arith.cmpf olt, %mul3A_100, %lt3A_102 : vector<448x128xf32>
    %neg3A_104 = arith.constant 0.000000e+00 : f32
    %neg3A_105 = vector.broadcast %neg3A_104 : f32 to vector<448x128xf32>
    %neg3A_106 = arith.subf %neg3A_105, %sub3A_92 : vector<448x128xf32>
    %select_n3A_107 = arith.select %lt3A_103, %neg3A_106, %sub3A_92 : vector<448x128xi1>, vector<448x128xf32>
    %gt3A_108 = arith.constant 0.000000e+00 : f32
    %gt3A_109 = vector.broadcast %gt3A_108 : f32 to vector<448x128xf32>
    %gt3A_110 = arith.cmpf ogt, %select_n3A_107, %gt3A_109 : vector<448x128xf32>
    %gt3A_111 = arith.constant 0.000000e+00 : f32
    %gt3A_112 = vector.broadcast %gt3A_111 : f32 to vector<448x128xf32>
    %gt3A_113 = arith.cmpf ogt, %roll3A_37, %gt3A_112 : vector<448x128xf32>
    %jit3A = arith.constant 1.000000e+00 : f32
    %jit3A_114 = arith.constant 0.000000e+00 : f32
    %broadcast_in_dim3A_115 = vector.broadcast %jit3A : f32 to vector<448x128xf32>
    %broadcast_in_dim3A_116 = vector.broadcast %jit3A_114 : f32 to vector<448x128xf32>
    %select_n3A_117 = arith.select %gt3A_113, %broadcast_in_dim3A_115, %broadcast_in_dim3A_116 : vector<448x128xi1>, vector<448x128xf32>
    %eq3A = arith.constant 0.000000e+00 : f32
    %eq3A_118 = vector.broadcast %eq3A : f32 to vector<448x128xf32>
    %eq3A_119 = arith.cmpf oeq, %roll3A_37, %eq3A_118 : vector<448x128xf32>
    %jit3A_120 = arith.constant 5.000000e-01 : f32
    %jit3A_121 = arith.constant 0.000000e+00 : f32
    %broadcast_in_dim3A_122 = vector.broadcast %jit3A_120 : f32 to vector<448x128xf32>
    %broadcast_in_dim3A_123 = vector.broadcast %jit3A_121 : f32 to vector<448x128xf32>
    %select_n3A_124 = arith.select %eq3A_119, %broadcast_in_dim3A_122, %broadcast_in_dim3A_123 : vector<448x128xi1>, vector<448x128xf32>
    %and3A = arith.andi %gt3A_99, %gt3A_110 : vector<448x128xi1>
    %not3A = arith.constant dense<true> : vector<448x128xi1>
    %not3A_125 = arith.xori %and3A, %not3A : vector<448x128xi1>
    %jit3A_126 = arith.constant 0.000000e+00 : f32
    %broadcast_in_dim3A_127 = vector.broadcast %jit3A_126 : f32 to vector<448x128xf32>
    %select_n3A_128 = arith.select %not3A_125, %select_n3A_117, %broadcast_in_dim3A_127 : vector<448x128xi1>, vector<448x128xf32>
    %or3A = arith.ori %gt3A_99, %gt3A_110 : vector<448x128xi1>
    %jit3A_129 = arith.constant 0.000000e+00 : f32
    %broadcast_in_dim3A_130 = vector.broadcast %jit3A_129 : f32 to vector<448x128xf32>
    %select_n3A_131 = arith.select %or3A, %select_n3A_117, %broadcast_in_dim3A_130 : vector<448x128xi1>, vector<448x128xf32>
    %mul3A_132 = arith.mulf %select_n3A_128, %add3A_10 : vector<448x128xf32>
    %mul3A_133 = arith.mulf %select_n3A_131, %roll3A_18 : vector<448x128xf32>
    %add3A_134 = arith.addf %mul3A_132, %mul3A_133 : vector<448x128xf32>
    %mul3A_135 = arith.constant 5.000000e+00 : f32
    %mul3A_136 = vector.broadcast %mul3A_135 : f32 to vector<448x128xf32>
    %mul3A_137 = arith.mulf %mul3A_136, %add3A_134 : vector<448x128xf32>
    %mul3A_138 = arith.mulf %select_n3A_128, %roll3A_25 : vector<448x128xf32>
    %add3A_139 = arith.addf %mul3A_137, %mul3A_138 : vector<448x128xf32>
    %mul3A_140 = arith.mulf %select_n3A_131, %roll3A_27 : vector<448x128xf32>
    %add3A_141 = arith.addf %add3A_139, %mul3A_140 : vector<448x128xf32>
    %add3A_142 = arith.addf %roll3A_25, %roll3A_27 : vector<448x128xf32>
    %mul3A_143 = arith.mulf %select_n3A_124, %add3A_142 : vector<448x128xf32>
    %add3A_144 = arith.addf %add3A_141, %mul3A_143 : vector<448x128xf32>
    %mul3A_145 = arith.mulf %select_n3A_117, %add3A_23 : vector<448x128xf32>
    %add3A_146 = arith.addf %add3A_144, %mul3A_145 : vector<448x128xf32>
    %iota3A = tpu.iota {dimensions = array<i32: 1>} : vector<448x128xi32>
    %jit3A_147 = arith.constant 30 : i32
    %eq3A_148 = arith.constant 0 : i32
    %eq3A_149 = arith.cmpi eq, %jit3A_147, %eq3A_148 : i32
    %jit3A_150 = arith.constant 1 : i32
    %select_n3A_151 = arith.select %eq3A_149, %jit3A_150, %jit3A_147 : i32
    %rem3A = vector.broadcast %select_n3A_151 : i32 to vector<448x128xi32>
    %rem3A_152 = arith.remsi %iota3A, %rem3A : vector<448x128xi32>
    %ne3A = arith.constant 0 : i32
    %ne3A_153 = vector.broadcast %ne3A : i32 to vector<448x128xi32>
    %ne3A_154 = arith.cmpi ne, %rem3A_152, %ne3A_153 : vector<448x128xi32>
    %lt3A_155 = arith.constant 0 : i32
    %lt3A_156 = vector.broadcast %lt3A_155 : i32 to vector<448x128xi32>
    %lt3A_157 = arith.cmpi slt, %rem3A_152, %lt3A_156 : vector<448x128xi32>
    %lt3A_158 = arith.constant 0 : i32
    %lt3A_159 = arith.cmpi slt, %select_n3A_151, %lt3A_158 : i32
    %ne3A_160 = vector.broadcast %lt3A_159 : i1 to vector<448x128xi1>
    %ne3A_161 = vector.broadcast %ne3A_160 : vector<448x128xi1> to vector<448x128xi1>
    %ne3A_162 = arith.xori %lt3A_157, %ne3A_161 : vector<448x128xi1>
    %and3A_163 = arith.andi %ne3A_162, %ne3A_154 : vector<448x128xi1>
    %add3A_164 = vector.broadcast %select_n3A_151 : i32 to vector<448x128xi32>
    %add3A_165 = arith.addi %rem3A_152, %add3A_164 : vector<448x128xi32>
    %select_n3A_166 = arith.select %and3A_163, %add3A_165, %rem3A_152 : vector<448x128xi1>, vector<448x128xi32>
    %eq3A_167 = arith.constant 0 : i32
    %eq3A_168 = vector.broadcast %eq3A_167 : i32 to vector<448x128xi32>
    %eq3A_169 = arith.cmpi eq, %select_n3A_166, %eq3A_168 : vector<448x128xi32>
    %lt3A_170 = arith.constant 120 : i32
    %lt3A_171 = vector.broadcast %lt3A_170 : i32 to vector<448x128xi32>
    %lt3A_172 = arith.cmpi slt, %iota3A, %lt3A_171 : vector<448x128xi32>
    %and3A_173 = arith.andi %eq3A_169, %lt3A_172 : vector<448x128xi1>
    %jit3A_174 = arith.constant 0.000000e+00 : f32
    %broadcast_in_dim3A_175 = vector.broadcast %jit3A_174 : f32 to vector<448x128xf32>
    %select_n3A_176 = arith.select %and3A_173, %add3A_146, %broadcast_in_dim3A_175 : vector<448x128xi1>, vector<448x128xf32>
    %reduce_sum3A = vector.shape_cast %select_n3A_176 : vector<448x128xf32> to vector<1x448x128xf32>
    %reduce_sum3A_177 = arith.constant dense<0.000000e+00> : vector<1xf32>
    %reduce_sum3A_178 = vector.multi_reduction <add>, %reduce_sum3A, %reduce_sum3A_177 [1, 2] : vector<1x448x128xf32> to vector<1xf32>
    %reduce_sum3A_179 = vector.shape_cast %reduce_sum3A_178 : vector<1xf32> to vector<1x1x1xf32>
    %reduce_sum3A_180 = vector.extract %reduce_sum3A_179[0, 0, 0] : f32 from vector<1x1x1xf32>
    %reshape3A = vector.broadcast %reduce_sum3A_180 : f32 to vector<1x1x1xf32>
    %swap3A = arith.constant 0 : index
    %swap3A_181 = arith.constant 0 : index
    %swap3A_182 = arith.constant 0 : index
    %swap3A_183 = vector.load %arg3[%swap3A, %swap3A_181, %swap3A_182] : memref<1x1x1xf32, #tpu.memory_space<vmem>>, vector<1x1x1xf32>
    tpu.vector_store %arg3[%swap3A, %swap3A_181, %swap3A_182], %reshape3A {strides = array<i32>} : memref<1x1x1xf32, #tpu.memory_space<vmem>>, vector<1x1x1xf32>,
    return
  }
  func.func @transform_0(%arg0: i32) -> (i32, i32) {
    %c0_i32 = arith.constant 0 : i32
    %c0_i32_0 = arith.constant 0 : i32
    return %arg0, %c0_i32 : i32, i32
  }
  func.func @transform_1(%arg0: i32) -> (i32, i32) {
    %c0_i32 = arith.constant 0 : i32
    %c0_i32_0 = arith.constant 0 : i32
    return %arg0, %c0_i32 : i32, i32
  }
  func.func @transform_2(%arg0: i32) -> (i32, i32, i32) {
    %c0_i32 = arith.constant 0 : i32
    %c0_i32_0 = arith.constant 0 : i32
    %c0_i32_1 = arith.constant 0 : i32
    return %arg0, %c0_i32, %c0_i32_0 : i32, i32, i32
  }
}

</mosaic_0001>

<sc_bundles>
// kernel: kernel.4.cloned.1.call-start
scs
__scs_entry_jumppad:
0x0: {  	(pc) =	sbr.rel $0x88, $3  }
0x1: {  	(tag) =	ssettag $0x0;
	lr =	simm.s32 $0x1  }
0x2: {  	[smem:$0x3F9F] =	sst lr;
	_ =	strace $0xD0000000  }
0x3: {  	_ = 	snop  }
0x4: {  	_ = 	snop  }
0x5: {  	_ = 	snop  }
0x6: {  	_ = 	snop  }
0x7: {  	_ = 	snop  }
__scs_overlays_trampoline_lowered:
0x8: {  	[smem:$0x3FAE] =	sst s0  }
0x9: {  	[smem:$0x3FAF] =	sst s1  }
0xa: {  	[smem:$0x3FB0] =	sst s2  }
0xb: {  	[smem:$0x3FB1] =	sst s3  }
0xc: {  	[smem:$0x3FB2] =	sst s4  }
0xd: {  	[smem:$0x3FB3] =	sst s5  }
0xe: {  	[smem:$0x3FB4] =	sst s6  }
0xf: {  	[smem:$0x3FB5] =	sst s7  }
0x10: {  	[smem:$0x3FB6] =	sst s8  }
0x11: {  	[smem:$0x3FB7] =	sst s9;
	s0 =	simm.s32 @!p0 $0x0  }
0x12: {  	s1 =	sld [smem:$0x3F9D];
	s0 =	simm.s32 @p0 $0x1  }
0x13: {  	[smem:$0x3FB8] =	sst s0;
	s0 =	simm.s32 @!p1 $0x0  }
0x14: {  	s2 =	sld [smem:$0x3F9C];
	s0 =	simm.s32 @p1 $0x1  }
0x15: {  	[smem:$0x3FB9] =	sst s0;
	s0 =	simm.s32 @!p2 $0x0  }
0x16: {  	s3 =	sld [smem:$0x3FDB];
	s0 =	simm.s32 @p2 $0x1  }
0x17: {  	s4 =	simm.s32 $0x1BF5;
	[smem:$0x3FBB] =	sst s0  }
0x18: {  	s0 =	sld [smem:$0x3F9E];
	_ =	swait.ge [sflag:s4], $0x0  }
0x19: {  	s7 =	sld [smem:$0x3F9F]  }
0x1a: {  	s8 =	sadd.s32 $0xFFFFE003, lr  }
0x1b: {  	s9 =	sadd.s32 $0xFFFFFEF7, lr;
	s5 =	simm.s32 $0xFFFFFFFF;
	p2 =	slt.u32 s8, $0xFFFFF086  }
0x1c: {  	p1 =	slt.u32 s9, $0xF7A;
	s5 =	simm.s32 @!p2 $0x0  }
0x1d: {  	s5 =	simm.s32 @p1 $0x1;
	p0 =	seq.s32 s7, s2  }
0x1e: {  	s7 =	smul.u32 @!p0 $0xF7A, s2;
	p2 =	seq.s32 @!p0 s5, $0x0  }
0x1f: {  	s9 =	smul.u32 $0xF7A, s1;
	s8 =	simm.s32 @!p0 $0x1BF5;
	p2 =	por !p2, p0  }
0x20: {  	[sflag:s8] =	ssyncset.s32 @!p0 $0xFFFFF086;
	s6 =	sadd.s32 @!p0 s3, s7;
	s7 =	simm.s32 @!p0 $0x108  }
0x21: {  	s3 =	sadd.s32 s3, s9;
	s6 =	sadd.s32 @!p0 $0x88, s6;
	s7 =	simm.s32 @p2 $0x1082  }
0x22: {  	[simem:s7], [sflag:s8] =	dma.local @!p0 [hbm:s6], $0xF7A  }
0x23: {  	s9 =	sor.u32 $0xD0000000, s2;
	s6 =	simm.s32 $0x108;
	_ =	swait.ge @!p0 [sflag:s8], $0x0  }
0x24: {  	s3 =	sadd.s32 $0x88, s3;
	s6 =	simm.s32 @!p1 $0x1082;
	[sflag:s4] =	ssyncset.s32 $0xFFFFF086  }
0x25: {  	[simem:s6], [sflag:s4] =	dma.local [hbm:s3], $0xF7A  }
0x26: {  	[smem:$0x3F9F] =	sst s1;
	(tag) =	ssettag s2;
	_ =	strace s9  }
0x27: {  	s1 =	sld [smem:$0x3FAF]  }
0x28: {  	s2 =	sld [smem:$0x3FB0]  }
0x29: {  	s4 =	sld [smem:$0x3FB2]  }
0x2a: {  	p0 =	seq.s32 s5, $0x0;
	s5 =	sld [smem:$0x3FB3]  }
0x2b: {  	s6 =	sld [smem:$0x3FB4]  }
0x2c: {  	s7 =	sld [smem:$0x3FB5]  }
0x2d: {  	s3 =	simm.s32 $0x108;
	s8 =	sld [smem:$0x3FB6]  }
0x2e: {  	s3 =	simm.s32 @!p0 $0x1082;
	s9 =	sld [smem:$0x3FB7]  }
0x2f: {  	lr =	sadd.s32 s0, s3;
	s0 =	sld [smem:$0x3FAE]  }
0x30: {  	s3 =	sld [smem:$0x3FB1]  }
0x31: {  	[smem:$0x3FBA] =	sst s10  }
0x32: {  	s10 =	sld [smem:$0x3FB8];
	_ =	sdelay $0x3  }
0x33: {  	p0 =	seq.s32 s10, $0x1;
	s10 =	sld [smem:$0x3FBA];
	_ =	sdelay $0x3  }
0x34: {  	[smem:$0x3FBA] =	sst s10  }
0x35: {  	s10 =	sld [smem:$0x3FB9];
	_ =	sdelay $0x3  }
0x36: {  	p1 =	seq.s32 s10, $0x1;
	s10 =	sld [smem:$0x3FBA];
	_ =	sdelay $0x3  }
0x37: {  	[smem:$0x3FBA] =	sst s10  }
0x38: {  	s10 =	sld [smem:$0x3FBB]  }
0x39: {  	_ = 	snop;
	(pc) =	sbr.ind lr, $3  }
0x3a: {  	_ = 	snop  }
0x3b: {  	_ = 	snop  }
0x3c: {  	p2 =	seq.s32 s10, $0x1;
	s10 =	sld [smem:$0x3FBA]  }
0x3d: {  	_ =	shalt  }
0x3e: {  	_ =	shalt  }
0x3f: {  	_ =	shalt  }
0x40: {  	_ =	shalt  }
0x41: {  	_ =	shalt  }
0x42: {  	_ =	shalt  }
0x43: {  	_ =	shalt  }
0x44: {  	_ =	shalt  }
0x45: {  	_ =	shalt  }
0x46: {  	_ =	shalt  }
0x47: {  	_ =	shalt  }
0x48: {  	_ =	shalt  }
0x49: {  	_ =	shalt  }
0x4a: {  	_ =	shalt  }
0x4b: {  	_ =	shalt  }
0x4c: {  	_ =	shalt  }
0x4d: {  	_ =	shalt  }
0x4e: {  	_ =	shalt  }
0x4f: {  	_ =	shalt  }
0x50: {  	_ =	shalt  }
0x51: {  	_ =	shalt  }
0x52: {  	_ =	shalt  }
0x53: {  	_ =	shalt  }
0x54: {  	_ =	shalt  }
0x55: {  	_ =	shalt  }
0x56: {  	_ =	shalt  }
0x57: {  	_ =	shalt  }
0x58: {  	_ =	shalt  }
0x59: {  	_ =	shalt  }
0x5a: {  	_ =	shalt  }
0x5b: {  	_ =	shalt  }
0x5c: {  	_ =	shalt  }
0x5d: {  	_ =	shalt  }
0x5e: {  	_ =	shalt  }
0x5f: {  	_ =	shalt  }
0x60: {  	_ =	shalt  }
0x61: {  	_ =	shalt  }
0x62: {  	_ =	shalt  }
0x63: {  	_ =	shalt  }
0x64: {  	_ =	shalt  }
0x65: {  	_ =	shalt  }
0x66: {  	_ =	shalt  }
0x67: {  	_ =	shalt  }
0x68: {  	_ =	shalt  }
0x69: {  	_ =	shalt  }
0x6a: {  	_ =	shalt  }
0x6b: {  	_ =	shalt  }
0x6c: {  	_ =	shalt  }
0x6d: {  	_ =	shalt  }
0x6e: {  	_ =	shalt  }
0x6f: {  	_ =	shalt  }
0x70: {  	_ =	shalt  }
0x71: {  	_ =	shalt  }
0x72: {  	_ =	shalt  }
0x73: {  	_ =	shalt  }
0x74: {  	_ =	shalt  }
0x75: {  	_ =	shalt  }
0x76: {  	_ =	shalt  }
0x77: {  	_ =	shalt  }
0x78: {  	_ =	shalt  }
0x79: {  	_ =	shalt  }
0x7a: {  	_ =	shalt  }
0x7b: {  	_ =	shalt  }
0x7c: {  	_ =	shalt  }
0x7d: {  	_ =	shalt  }
0x7e: {  	_ =	shalt  }
0x7f: {  	_ =	shalt  }
0x80: {  	_ =	shalt  }
0x81: {  	_ =	shalt  }
0x82: {  	_ =	shalt  }
0x83: {  	_ =	shalt  }
0x84: {  	_ =	shalt  }
0x85: {  	_ =	shalt  }
0x86: {  	_ =	shalt  }
0x87: {  	_ =	shalt  }
.Lfunc_end0:
.L_simem_size_0:
called_computation_lowered:
.L_overlay_start_0:
0x88: {  	s2 =	sld [smem:$0x3FD9]  }
0x89: {  	s3 =	sld [smem:$0x3FFE];
	_ =	sdelay $0x1  }
0x8a: {  	s1 =	srdreg.scid  }
0x8b: {  	s0 =	sand.u32 $0x1, s1  }
0x8c: {  	s16 =	sshll.u32 s0, $0xA;
	s2 =	sadd.s32 s3, s2  }
0x8d: {  	s2 =	sadd.s32 s2, s16  }
0x8e: {  	[smem:$0x3FC6] =	sst s2  }
0x8f: {  	_ = 	snop  }
0x90: {  	(tm) =	ssettm $0x1  }
0x91: {  	s17 =	sld [smem:$0x3FFB];
	_ =	sdelay $0x3  }
0x92: {  	_ =	strace s17  }
0x93: {  	s2 =	sld [smem:$0x3FFC];
	_ =	sdelay $0x3  }
0x94: {  	_ =	strace s2  }
0x95: {  	s2 =	sld [smem:$0x3FFD];
	_ =	sdelay $0x3  }
0x96: {  	_ =	strace s2  }
0x97: {  	_ =	strace $0x8FFFFFFF  }
0x98: {  	s18 =	sld [smem:$0x3FDB];
	_ =	sdelay $0x1  }
0x99: {  	s19 =	simm.s32 $_scs_section_size  }
0x9a: {  	s4 =	simm.s32 $_size__tile_overlayer_lowered;
	s5 =	simm.s32 $_tile_overlayer_lowered  }
0x9b: {  	s22 =	simm.s32 $0x1BFF;
	s21 =	sshll.u32 s5, $0x1;
	s2 =	sadd.s32 s19, s18  }
0x9c: {  	s6 =	simm.s32 $0x0;
	s20 =	sshll.u32 s4, $0x1;
	s4 =	sadd.s32 s21, s2  }
0x9d: {  	[timem:s6], [sflag:s22] =	dma.local [hbm:s4], s20  }
0x9e: {  	_ =	swait.ge [sflag:s22], s20  }
0x9f: {  	s3 =	ssub.s32 $0x0, s20;
	[sflag:s22] =	ssyncset.done $0x0  }
0xa0: {  	[sflag:s22] =	ssyncadd.s32 s3;
	_ =	sdelay $0x1  }
0xa1: {  	s23 =	simm.s32 $0x1B8B  }
0xa2: {  	_ =	swait.ge [sflag:s23], $0x1  }
0xa3: {  	[sflag:s23] =	ssyncset.done $0x0  }
0xa4: {  	s25 =	simm.s32 $0x1B8E;
	s24 =	sld [smem:$0x3FFE];
	[sflag:s23] =	ssyncadd.s32 $0xFFFFFFFF  }
0xa5: {  	s26 =	simm.s32 $execute0_lowered;
	[smem:$0x3FD2] =	sst s25  }
0xa6: {  	s4 =	sshll.u32 s26, $0x1;
	_ =	strace $0x80000046;
	[dreg:$0x1] =	wrdreg $0xFFFFFFFF  }
0xa7: {  	s28 =	simm.s32 $_size_execute0_lowered;
	s2 =	sadd.s32 s2, s4;
	[dreg:$0x0] =	wrdreg $0x0  }
0xa8: {  	s4 =	sshll.u32 s28, $0x1;
	[dreg:$0x2] =	wrdreg s2  }
0xa9: {  	[dreg:$0x3] =	wrdreg s4  }
0xaa: {  	[dreg:$0x4] =	wrdreg $0xC0  }
0xab: {  	_ =	task [dreg:s6], $0x5FFFF  }
0xac: {  	[dreg:$0x1] =	wrdreg $0xFFFFFFFF  }
0xad: {  	[dreg:$0x0] =	wrdreg $0x60  }
0xae: {  	[dreg:$0x2] =	wrdreg s24  }
0xaf: {  	[dreg:$0x3] =	wrdreg $0x9  }
0xb0: {  	_ =	task.clear_ibuf [dreg:s6], $0x4FFFF;
	_ =	strace $0x90000046  }
0xb1: {  	s29 =	simm.s32 $0x9;
	_ =	strace $0x80000048  }
0xb2: {  	_ =	swait.ge [sflag:s29], $0x1  }
0xb3: {  	[sflag:s29] =	ssyncadd.s32 $0xFFFFFFFF  }
0xb4: {  	_ =	strace $0x90000048  }
0xb5: {  	_ =	sfence  }
0xb6: {  	s30 =	sld [smem:$0x0];
	_ =	sdelay $0x2  }
0xb7: {  	s31 =	sshll.u32 s1, $0xD;
	s1 =	sshrl.u32 s1, $0x2  }
0xb8: {  	s3 =	sand.u32 $0x4000, s31;
	s1 =	sadd.s32 s1, s30  }
0xb9: {  	s0 =	sor.u32 s3, s0;
	s1 =	sshll.u32 s1, $0x11  }
0xba: {  	s0 =	sor.u32 s1, s0  }
0xbb: {  	s0 =	sadd.s32 $0x8F2B, s0  }
0xbc: {  	[sflag:s0] =	ssyncadd.remote.s32 $0x1  }
0xbd: {  	_ =	sfence.sel $0xFFFF  }
0xbe: {  	[dreg:$0x0] =	wrdreg $0xFFFFFFFF;
	(pc) =	sbr.abs _section_cstart, $3  }
0xbf: {  	[dreg:$0x1] =	wrdreg $0xFFFFFFFF  }
0xc0: {  	_ =	task.clear_ibuf [dreg:s6], $0x2FFFF;
	_ =	strace $0x9FFFFFFF  }
0xc1: {  	(tm) =	ssettm $0x7FFFFFFF  }
tec
execute0_lowered:
.L_overlay_start_1:
0x0: {  	(tag) =	ssettag $0x1  }
0x1: {  	v0 =	vimm.s32 $0x3380;
	vm0 =	vcmask $0x300  }
0x2: {  	vm14 =	vcmask $0x704;
	v0 =	vsel vm0, $0x0, v0  }
0x3: {  	vm15 =	vcmask $0xB08;
	v0 =	vsel vm14, $0x80, v0  }
0x4: {  	vm4 =	vcmask $0xF0C;
	v0 =	vsel vm15, $0x100, v0  }
0x5: {  	vm5 =	vcmask $0x1310;
	v0 =	vsel vm4, $0x180, v0  }
0x6: {  	vm6 =	vcmask $0x1714;
	v0 =	vsel vm5, $0x200, v0  }
0x7: {  	vm7 =	vcmask $0x1B18;
	v0 =	vsel vm6, $0x280, v0  }
0x8: {  	s5 =	rddreg [dreg:$0x0];
	vm8 =	vcmask $0x1F1C;
	v0 =	vsel vm7, $0x300, v0  }
0x9: {  	s0 =	rddreg [dreg:$0x1];
	s2 =	simm.s32 $0x0;
	s3 =	srdreg.scid;
	vm9 =	vcmask $0x2320;
	v0 =	vsel vm8, $0x380, v0  }
0xa: {  	s1 =	stileid.u32;
	vm10 =	vcmask $0x2724;
	s9 =	simm.s32 $0x1;
	s10 =	simm.s32 $0xC000;
	v0 =	vsel vm9, $0x3000, v0  }
0xb: {  	vm11 =	vcmask $0x2B28;
	s11 =	simm.s32 $0x2;
	s12 =	simm.s32 $0x0;
	[smem:$0x7FF] =	sst s2;
	v0 =	vsel vm10, $0x3080, v0  }
0xc: {  	vm12 =	vcmask $0x2F2C;
	s4 =	sand.u32 $0x1, s3;
	s30 =	sshll.u32 s1, $0x1;
	s3 =	sadd.s32 $0x11C600, s5;
	v0 =	vsel vm11, $0x3100, v0  }
0xd: {  	vm13 =	vcmask $0x3330;
	_ =	strace $0x80000047;
	s6 =	sor.u32 s4, s30;
	s8 =	ssub.s32 $0x2, s4;
	v0 =	vsel vm12, $0x3180, v0  }
0xe: {  	s4 =	sadd.s32 $0x8C600, s5;
	vm14 =	vcmask $0x3734;
	s7 =	sshll.u32 s6, $0x4;
	s31 =	sshrl.u32 s8, $0x1;
	v0 =	vsel vm13, $0x3200, v0  }
0xf: {  	vm15 =	vcmask $0x3B38;
	s7 =	sadd.s32 s7, s5;
	s8 =	ssub.s32 s8, s31;
	s5 =	smul.u32 $0x60, s6;
	v1 =	vsel vm14, $0x3280, v0  }
0x10: {  	s6 =	sadd.s32 $0x2600, s7;
	s7 =	smax.u32 s8, $0x1;
	s8 =	simm.s32 $0x6000;
	v0 =	vimm.f32 $0.0e+00;
	v1 =	vsel vm15, $0x3300, v1  }
.LBB2_1:
0x11: {  	[tilespmem:$0xC000] =	vst v0;
	s13 =	simm.s32 $0x0  }
.LBB2_2:
0x12: {  	s14 =	sshll.u32 s13, $0x4  }
0x13: {  	s14 =	sadd.s32 s5, s14  }
0x14: {  	s14 =	sshrl.u32 s14, $0x3  }
0x15: {  	s15 =	smul.u32 $0x600, s14;
	_ =	sdelay $0x1  }
0x16: {  	s14 =	simm.s32 $0x0;
	s16 =	sadd.s32 s3, s15  }
0x17: {  	[tilespmem:s14], [sflag:$0x1] =	stream.linear.gather [hbm4b:s16+s14], $0x6000, $0x38;
	[tilespmem:$0xC080] =	vst v63  }
0x18: {  	s15 =	sadd.s32 s4, s15  }
0x19: {  	[tilespmem:s8], [sflag:$0x1] =	stream.linear.gather [hbm4b:s15+s14], $0x6000, $0x38;
	[tilespmem:$0xC080] =	vst v63  }
0x1a: {  	_ =	swait.ge [sflag:s9], $0x6000  }
0x1b: {  	[sflag:s9] =	ssyncset.done $0x0  }
0x1c: {  	[sflag:s9] =	ssyncadd.s32 $0xFFFFA000  }
0x1d: {  	_ =	swait.ge [sflag:s9], $0x6000  }
0x1e: {  	[sflag:s9] =	ssyncset.done $0x0  }
0x1f: {  	s15 =	simm.s32 $0x0;
	[sflag:s9] =	ssyncadd.s32 $0xFFFFA000  }
.LBB2_3:
0x20: {  	s16 =	sadd.s32 $0x0, s14  }
0x21: {  	s17 =	sadd.s32 $0x9, s16  }
0x22: {  	v2 =	vmov s16;
	s18 =	sadd.s32 $0x1C, s16;
	s19 =	sadd.s32 $0x1D, s16;
	s21 =	sadd.s32 $0x1A, s16;
	v3 =	vmov s17  }
0x23: {  	s22 =	sadd.s32 $0x1B, s16;
	s23 =	sadd.s32 $0x17, s16;
	s24 =	sadd.s32 $0x18, s16;
	v4 =	vmov s18;
	v5 =	vmov s19;
	v6 =	vmov s21  }
0x24: {  	s25 =	sadd.s32 $0x19, s16;
	s26 =	sadd.s32 $0x16, s16;
	s28 =	sadd.s32 $0x14, s16;
	v7 =	vmov s22;
	v9 =	vmov s23;
	v12 =	vmov s24  }
0x25: {  	s29 =	sadd.s32 $0x15, s16;
	s30 =	sadd.s32 $0x12, s16;
	v13 =	vmov s25;
	v15 =	vmov s26;
	v16 =	vmov s28  }
0x26: {  	s31 =	sadd.s32 $0x13, s16;
	s20 =	sadd.s32 $0x3, s16;
	v20 =	vmov s29;
	v10 =	vand.u32 $0x7E, v2;
	v21 =	vmov s30  }
0x27: {  	v22 =	vmov s31;
	s18 =	sadd.s32 $0x1, s16;
	s19 =	sadd.s32 $0x2, s16;
	v2 =	vshll.u32 v2, $0x3;
	v25 =	vmov s20;
	s21 =	sadd.s32 $0x5, s16  }
0x28: {  	s22 =	sadd.s32 $0x6, s16;
	s23 =	sadd.s32 $0x7, s16;
	s24 =	sadd.s32 $0x8, s16;
	v23 =	vmov s18;
	v24 =	vmov s19;
	v26 =	vmov s21  }
0x29: {  	s25 =	sadd.s32 $0x10, s16;
	s26 =	sadd.s32 $0x11, s16;
	s28 =	sadd.s32 $0xE, s16;
	v27 =	vmov s22;
	v28 =	vmov s23;
	v29 =	vmov s24  }
0x2a: {  	s20 =	sadd.s32 $0xF, s16;
	s29 =	sadd.s32 $0xA, s16;
	s30 =	sadd.s32 $0xC, s16;
	v30 =	vmov s25;
	v31 =	vmov s26;
	v32 =	vmov s28  }
0x2b: {  	s31 =	sadd.s32 $0xB, s16;
	v33 =	vmov s20;
	v34 =	vmov s29;
	v35 =	vmov s30  }
0x2c: {  	v37 =	vmov s31;
	v38 =	vand.u32 $0x7F, v5;
	v39 =	vand.u32 $0x7E, v4  }
0x2d: {  	v4 =	vshll.u32 v4, $0x3;
	v5 =	vshll.u32 v5, $0x3;
	v8 =	vand.u32 $0x7F, v3  }
0x2e: {  	v11 =	vand.u32 $0x7F, v7;
	v40 =	vshll.u32 v3, $0x3;
	v14 =	vand.u32 $0x7E, v6  }
0x2f: {  	v41 =	vshll.u32 v7, $0x3;
	v17 =	vand.u32 $0x7F, v13;
	v42 =	vshll.u32 v13, $0x3  }
0x30: {  	v43 =	vshll.u32 v6, $0x3;
	v19 =	vand.u32 $0x7F, v9;
	v18 =	vand.u32 $0x7E, v12  }
0x31: {  	v44 =	vshll.u32 v12, $0x3;
	v45 =	vand.u32 $0x7E, v15;
	v46 =	vshll.u32 v15, $0x3  }
0x32: {  	v47 =	vshll.u32 v9, $0x3;
	v48 =	vand.u32 $0x7E, v16;
	v49 =	vand.u32 $0x7F, v20  }
0x33: {  	v50 =	vshll.u32 v20, $0x3;
	v51 =	vand.u32 $0x7F, v22;
	v52 =	vshll.u32 v22, $0x3  }
0x34: {  	v53 =	vshll.u32 v16, $0x3;
	v54 =	vand.u32 $0x7FFFFC00, v2;
	v55 =	vand.u32 $0x7E, v21  }
0x35: {  	s21 =	sadd.s32 $0xD, s16;
	v56 =	vshll.u32 v21, $0x3;
	v12 =	vand.u32 $0x7F, v25;
	v25 =	vshll.u32 v25, $0x3  }
0x36: {  	v36 =	vmov s21;
	v7 =	vand.u32 $0x7F, v23;
	v15 =	vand.u32 $0x7E, v24  }
0x37: {  	v6 =	vand.u32 $0x7F, v26;
	v9 =	vand.u32 $0x7E, v27;
	v13 =	vand.u32 $0x7F, v28  }
0x38: {  	v23 =	vshll.u32 v23, $0x3;
	v16 =	vand.u32 $0x7E, v29;
	v57 =	vand.u32 $0x7F, v31  }
0x39: {  	v2 =	vand.u32 $0x7FFFFC00, v5;
	v22 =	vshll.u32 v27, $0x3;
	v21 =	vshll.u32 v28, $0x3  }
0x3a: {  	v3 =	vand.u32 $0x7FFFFC00, v4;
	v20 =	vshll.u32 v29, $0x3;
	v2 =	vor.u32 v38, v2  }
0x3b: {  	v5 =	vand.u32 $0x7E, v34;
	v28 =	vshll.u32 v31, $0x3;
	v4 =	vadd.s32 v1, v2  }
0x3c: {  	v31 =	vand.u32 $0x7E, v30;
	v3 =	vor.u32 v39, v3;
	v2 =	vshll.u32 v34, $0x3  }
0x3d: {  	v30 =	vshll.u32 v30, $0x3;
	v60 =	vadd.s32 v1, v3;
	v2 =	vand.u32 $0x7FFFFC00, v2  }
0x3e: {  	v59 =	vshll.u32 v32, $0x3;
	v3 =	vshll.u32 v37, $0x3;
	v2 =	vor.u32 v5, v2  }
0x3f: {  	v3 =	vand.u32 $0x7FFFFC00, v3;
	v61 =	vadd.s32 v1, v2;
	v2 =	vand.u32 $0x7F, v37  }
0x40: {  	v32 =	vand.u32 $0x7E, v32;
	v5 =	vshll.u32 v35, $0x3;
	v3 =	vor.u32 v2, v3;
	v2 =	vld.idx.msk [tilespmem:v4+s2+$0x0], $0xffff  }
0x41: {  	v35 =	vand.u32 $0x7E, v35;
	v5 =	vand.u32 $0x7FFFFC00, v5;
	v62 =	vadd.s32 v1, v3;
	v3 =	vld.idx.msk [tilespmem:v4+s8+$0x0], $0xffff  }
0x42: {  	v63 =	vshll.u32 v36, $0x3;
	v36 =	vand.u32 $0x7F, v36;
	v5 =	vor.u32 v35, v5;
	v4 =	vld.idx.msk [tilespmem:v60+s2+$0x0], $0xffff  }
0x43: {  	v30 =	vand.u32 $0x7FFFFC00, v30;
	v35 =	vand.u32 $0x7FFFFC00, v63;
	v58 =	vadd.s32 v1, v5;
	v5 =	vld.idx.msk [tilespmem:v60+s8+$0x0], $0xffff  }
0x44: {  	v30 =	vor.u32 v31, v30;
	v31 =	vand.u32 $0x7FFFFC00, v46;
	v35 =	vor.u32 v36, v35;
	v27 =	vld.idx.msk [tilespmem:v61+s2+$0x0], $0xffff  }
0x45: {  	v46 =	vand.u32 $0x7FFFFC00, v47;
	v63 =	vand.u32 $0x7FFFFC00, v56;
	v35 =	vadd.s32 v1, v35;
	v29 =	vld.idx.msk [tilespmem:v61+s8+$0x0], $0xffff  }
0x46: {  	v60 =	vand.u32 $0x7F, v33;
	v36 =	vand.u32 $0x7FFFFC00, v59;
	v47 =	vor.u32 v55, v63;
	v61 =	vld.idx.msk [tilespmem:v62+s2+$0x0], $0xffff  }
0x47: {  	v33 =	vshll.u32 v33, $0x3;
	v32 =	vor.u32 v32, v36;
	v59 =	vadd.s32 v1, v47;
	v34 =	vld.idx.msk [tilespmem:v62+s8+$0x0], $0xffff  }
0x48: {  	v24 =	vshll.u32 v24, $0x3;
	v33 =	vand.u32 $0x7FFFFC00, v33;
	v32 =	vadd.s32 v1, v32;
	v62 =	vld.idx.msk [tilespmem:v58+s2+$0x0], $0xffff  }
0x49: {  	v26 =	vshll.u32 v26, $0x3;
	v38 =	vand.u32 $0x7FFFFC00, v42;
	v33 =	vor.u32 v60, v33;
	v37 =	vld.idx.msk [tilespmem:v58+s8+$0x0], $0xffff  }
0x4a: {  	v42 =	vand.u32 $0x7FFFFC00, v43;
	v43 =	vand.u32 $0x7FFFFC00, v44;
	v33 =	vadd.s32 v1, v33;
	v44 =	vld.idx.msk [tilespmem:v35+s2+$0x0], $0xffff  }
0x4b: {  	v52 =	vand.u32 $0x7FFFFC00, v52;
	v50 =	vand.u32 $0x7FFFFC00, v50;
	v10 =	vor.u32 v10, v54;
	v35 =	vld.idx.msk [tilespmem:v35+s8+$0x0], $0xffff  }
0x4c: {  	v25 =	vand.u32 $0x7FFFFC00, v25;
	v28 =	vand.u32 $0x7FFFFC00, v28;
	v30 =	vadd.s32 v1, v30;
	v55 =	vld.idx.msk [tilespmem:v59+s2+$0x0], $0xffff  }
0x4d: {  	v28 =	vor.u32 v57, v28;
	v56 =	vld.idx.msk [tilespmem:v32+s2+$0x0], $0xffff;
	v27 =	vsub.f32 v27, v29;
	v57 =	vsub.f32 v61, v34  }
0x4e: {  	v39 =	vand.u32 $0x7FFFFC00, v40;
	v28 =	vadd.s32 v1, v28;
	v31 =	vor.u32 v45, v31;
	v32 =	vld.idx.msk [tilespmem:v32+s8+$0x0], $0xffff  }
0x4f: {  	v58 =	vld.idx.msk [tilespmem:v33+s2+$0x0], $0xffff;
	v27 =	vmul.f32 v27, v27;
	v37 =	vsub.f32 v62, v37;
	v29 =	vmul.f32 v57, v57  }
0x50: {  	v31 =	vadd.s32 v1, v31;
	v60 =	vor.u32 v51, v52;
	v33 =	vld.idx.msk [tilespmem:v33+s8+$0x0], $0xffff;
	v61 =	vand.u32 $0x7FFFFC00, v53  }
0x51: {  	v62 =	vld.idx.msk [tilespmem:v30+s2+$0x0], $0xffff;
	v35 =	vsub.f32 v44, v35;
	v63 =	vmul.f32 v37, v37;
	v27 =	vadd.f32 v29, v27  }
0x52: {  	v24 =	vand.u32 $0x7FFFFC00, v24;
	v47 =	vadd.s32 v1, v60;
	v30 =	vld.idx.msk [tilespmem:v30+s8+$0x0], $0xffff;
	v48 =	vor.u32 v48, v61  }
0x53: {  	v37 =	vld.idx.msk [tilespmem:v28+s2+$0x0], $0xffff;
	v32 =	vsub.f32 v56, v32;
	v54 =	vmul.f32 v35, v35;
	v27 =	vadd.f32 v63, v27  }
0x54: {  	v22 =	vand.u32 $0x7FFFFC00, v22;
	v53 =	vor.u32 v49, v50;
	v52 =	vadd.s32 v1, v48;
	v28 =	vld.idx.msk [tilespmem:v28+s8+$0x0], $0xffff  }
0x55: {  	v50 =	vld.idx.msk [tilespmem:v31+s2+$0x0], $0xffff;
	v57 =	vsub.f32 v58, v33;
	v56 =	vmul.f32 v32, v32;
	v27 =	vadd.f32 v54, v27  }
0x56: {  	v21 =	vand.u32 $0x7FFFFC00, v21;
	v18 =	vor.u32 v18, v43;
	v48 =	vadd.s32 v1, v53;
	v58 =	vld.idx.msk [tilespmem:v59+s8+$0x0], $0xffff  }
0x57: {  	v61 =	vld.idx.msk [tilespmem:v47+s8+$0x0], $0xffff;
	v60 =	vmul.f32 v57, v57;
	v30 =	vsub.f32 v62, v30;
	v27 =	vadd.f32 v56, v27  }
0x58: {  	v20 =	vand.u32 $0x7FFFFC00, v20;
	v19 =	vor.u32 v19, v46;
	v18 =	vadd.s32 v1, v18;
	v59 =	vld.idx.msk [tilespmem:v47+s2+$0x0], $0xffff  }
0x59: {  	v62 =	vld.idx.msk [tilespmem:v52+s2+$0x0], $0xffff;
	v43 =	vmul.f32 v30, v30;
	v28 =	vsub.f32 v37, v28;
	v27 =	vadd.f32 v60, v27  }
0x5a: {  	v12 =	vor.u32 v12, v25;
	v17 =	vor.u32 v17, v38;
	v63 =	vadd.s32 v1, v19;
	v45 =	vld.idx.msk [tilespmem:v52+s8+$0x0], $0xffff  }
0x5b: {  	v46 =	vld.idx.msk [tilespmem:v48+s2+$0x0], $0xffff;
	v47 =	vsub.f32 v55, v58;
	v28 =	vmul.f32 v28, v28;
	v27 =	vadd.f32 v43, v27  }
0x5c: {  	v14 =	vor.u32 v14, v42;
	v17 =	vadd.s32 v1, v17;
	v36 =	vand.u32 $0x7FFFFC00, v41;
	v49 =	vld.idx.msk [tilespmem:v48+s8+$0x0], $0xffff  }
0x5d: {  	v31 =	vld.idx.msk [tilespmem:v31+s8+$0x0], $0xffff;
	v52 =	vsub.f32 v59, v61;
	v51 =	vmul.f32 v47, v47;
	v27 =	vadd.f32 v28, v27  }
0x5e: {  	v8 =	vor.u32 v8, v39;
	v14 =	vadd.s32 v1, v14;
	v11 =	vor.u32 v11, v36;
	v57 =	vld.idx.msk [tilespmem:v18+s2+$0x0], $0xffff  }
0x5f: {  	v54 =	vmul.f32 v52, v52;
	v53 =	vld.idx.msk [tilespmem:v63+s2+$0x0], $0xffff;
	v55 =	vsub.f32 v62, v45;
	v27 =	vadd.f32 v51, v27  }
0x60: {  	v24 =	vor.u32 v15, v24;
	v36 =	vadd.s32 v1, v11;
	v19 =	vand.u32 $0x7FFFFC00, v26;
	v56 =	vld.idx.msk [tilespmem:v63+s8+$0x0], $0xffff  }
0x61: {  	v59 =	vld.idx.msk [tilespmem:v18+s8+$0x0], $0xffff;
	v26 =	vsub.f32 v46, v49;
	v58 =	vmul.f32 v55, v55;
	v11 =	vadd.f32 v54, v27  }
0x62: {  	v15 =	vor.u32 v16, v20;
	v20 =	vsub.f32 v50, v31;
	v61 =	vld.idx.msk [tilespmem:v17+s2+$0x0], $0xffff;
	v60 =	vadd.s32 v1, v8  }
0x63: {  	v18 =	vadd.s32 v1, v15;
	v15 =	vld.idx.msk [tilespmem:v14+s8+$0x0], $0xffff;
	v16 =	vmul.f32 v26, v26;
	v8 =	vadd.f32 v58, v11  }
0x64: {  	v13 =	vor.u32 v13, v21;
	v62 =	vld.idx.msk [tilespmem:v17+s8+$0x0], $0xffff;
	v17 =	vmul.f32 v20, v20;
	v20 =	vadd.s32 v1, v12  }
0x65: {  	v12 =	vor.u32 v9, v22;
	v9 =	vld.idx.msk [tilespmem:v36+s8+$0x0], $0xffff;
	v21 =	vsub.f32 v53, v56;
	v16 =	vadd.f32 v16, v8  }
0x66: {  	v23 =	vand.u32 $0x7FFFFC00, v23;
	v63 =	vsub.f32 v57, v59;
	v11 =	vld.idx.msk [tilespmem:v14+s2+$0x0], $0xffff  }
0x67: {  	v22 =	vmul.f32 v21, v21;
	v14 =	vadd.s32 v1, v13;
	v13 =	vld.idx.msk [tilespmem:v60+s8+$0x0], $0xffff;
	v17 =	vadd.f32 v17, v16  }
0x68: {  	v23 =	vor.u32 v7, v23;
	v21 =	vadd.s32 v1, v24;
	v8 =	vld.idx.msk [tilespmem:v36+s2+$0x0], $0xffff;
	v16 =	vadd.s32 v1, v12  }
0x69: {  	s17 =	simm.s32 $0x1E;
	v12 =	vld.idx.msk [tilespmem:v60+s2+$0x0], $0xffff;
	v7 =	vadd.f32 v22, v17;
	v17 =	vmul.f32 v63, v63;
	v22 =	vsub.f32 v61, v62  }
.LBB2_4:
0x6a: {  	p0 =	sne.s32 s17, $0xB4;
	v24 =	vadd.s32 v1, v10;
	v23 =	vadd.s32 v1, v23;
	v6 =	vor.u32 v6, v19;
	v25 =	vld.idx.msk [tilespmem:v18+s8+$0x0], $0xffff  }
0x6b: {  	s18 =	sadd.s32 s17, s14;
	v15 =	vsub.f32 v11, v15;
	v26 =	vld.idx.msk [tilespmem:v20+s8+$0x0], $0xffff;
	v7 =	vadd.f32 v17, v7;
	v10 =	vmul.f32 v22, v22  }
0x6c: {  	v11 =	vmov s18;
	v22 =	vadd.s32 v1, v6;
	v17 =	vld.idx.msk [tilespmem:v14+s8+$0x0], $0xffff  }
0x6d: {  	s19 =	sadd.s32 $0x9, s18;
	s20 =	sadd.s32 $0x1C, s18;
	s21 =	sadd.s32 $0x1D, s18;
	v15 =	vmul.f32 v15, v15;
	v9 =	vsub.f32 v8, v9;
	v27 =	vld.idx.msk [tilespmem:v21+s8+$0x0], $0xffff;
	v10 =	vadd.f32 v10, v7  }
0x6e: {  	v6 =	vmov s19;
	v8 =	vmov s21;
	v7 =	vmov s20;
	v19 =	vld.idx.msk [tilespmem:v16+s8+$0x0], $0xffff  }
0x6f: {  	s16 =	sadd.s32 $0x4, s16;
	v29 =	vsub.f32 v4, v5;
	s19 =	sadd.s32 $0x1A, s18;
	s20 =	sadd.s32 $0x1B, s18;
	v9 =	vmul.f32 v9, v9;
	v28 =	vld.idx.msk [tilespmem:v24+s8+$0x0], $0xffff;
	v10 =	vadd.f32 v15, v10  }
0x70: {  	v30 =	vmov s16;
	s16 =	smov.u32 s18;
	v4 =	vmov s19;
	v5 =	vmov s20;
	v31 =	vld.idx.msk [tilespmem:v23+s8+$0x0], $0xffff  }
0x71: {  	v32 =	vsub.f32 v2, v3;
	v29 =	vmul.f32 v29, v29;
	s18 =	sadd.s32 $0x17, s16;
	s19 =	sadd.s32 $0x18, s16;
	s20 =	sadd.s32 $0x19, s16;
	v15 =	vld.idx.msk [tilespmem:v22+s8+$0x0], $0xffff;
	v9 =	vadd.f32 v9, v10  }
0x72: {  	v2 =	vmov s18;
	v3 =	vmov s19;
	v10 =	vmov s20;
	v20 =	vld.idx.msk [tilespmem:v20+s2+$0x0], $0xffff  }
0x73: {  	v33 =	vshll.u32 v30, $0x3;
	v32 =	vmul.f32 v32, v32;
	s18 =	sadd.s32 $0x16, s16;
	v21 =	vld.idx.msk [tilespmem:v21+s2+$0x0], $0xffff;
	v29 =	vadd.f32 v29, v9  }
0x74: {  	v30 =	vand.u32 $0x7E, v30;
	v33 =	vand.u32 $0x7FFFFC00, v33;
	v9 =	vmov s18  }
0x75: {  	v30 =	vor.u32 v30, v33;
	v12 =	vsub.f32 v12, v13;
	v33 =	vld.idx.msk [tilespmem:v18+s2+$0x0], $0xffff;
	v13 =	vadd.f32 v32, v29  }
0x76: {  	v29 =	vadd.s32 v1, v30;
	v18 =	vsub.f32 v27, v28;
	v30 =	vsub.f32 v26, v31;
	v24 =	vld.idx.msk [tilespmem:v24+s2+$0x0], $0xffff  }
0x77: {  	v34 =	vsub.f32 v25, v19;
	v32 =	vsub.f32 v17, v15;
	vm0 =	vgt.f32 v15, $0.0e+00  }
0x78: {  	v35 =	vsub.f32 v20, v26;
	v30 =	vmul.f32 v30, v18;
	v18 =	vsel vm0, $0x3F800000, v0;
	v23 =	vld.idx.msk [tilespmem:v23+s2+$0x0], $0xffff  }
0x79: {  	v36 =	vsub.f32 v21, v27;
	v32 =	vmul.f32 v34, v32;
	v34 =	vmin.f32 v20, v26  }
0x7a: {  	v38 =	vmin.f32 v20, v25;
	v37 =	vmin.f32 v21, v27;
	v35 =	vmul.f32 v35, v35  }
0x7b: {  	v40 =	vmin.f32 v21, v17;
	v39 =	vsub.f32 v33, v25;
	v36 =	vmul.f32 v36, v36  }
0x7c: {  	v21 =	vsub.f32 v21, v24;
	v41 =	vmax.f32 v24, v28;
	v42 =	vmax.f32 v24, v15  }
0x7d: {  	v26 =	vmin.f32 v33, v26;
	v37 =	vsub.f32 v37, v41;
	v40 =	vsub.f32 v40, v42;
	v14 =	vld.idx.msk [tilespmem:v14+s2+$0x0], $0xffff  }
0x7e: {  	v20 =	vsub.f32 v20, v23;
	v41 =	vmax.f32 v23, v31;
	v42 =	vmax.f32 v23, v19;
	v16 =	vld.idx.msk [tilespmem:v16+s2+$0x0], $0xffff  }
0x7f: {  	v25 =	vmin.f32 v33, v25;
	v34 =	vsub.f32 v34, v41;
	v38 =	vsub.f32 v38, v42;
	v22 =	vld.idx.msk [tilespmem:v22+s2+$0x0], $0xffff  }
0x80: {  	v24 =	vsub.f32 v24, v28;
	v37 =	vmax.f32 v37, $0.0e+00;
	v40 =	vmax.f32 v40, $0.0e+00  }
0x81: {  	v20 =	vmul.f32 v20, v21;
	v21 =	vmax.f32 v34, $0.0e+00;
	v34 =	vmax.f32 v38, $0.0e+00  }
0x82: {  	v23 =	vsub.f32 v23, v31;
	v21 =	vmul.f32 v21, v37;
	v34 =	vmul.f32 v34, v40  }
0x83: {  	v38 =	vadd.f32 v30, v20;
	v27 =	vmin.f32 v14, v27;
	v37 =	vmin.f32 v14, v17  }
0x84: {  	v33 =	vsub.f32 v33, v16;
	v31 =	vmax.f32 v16, v31;
	v40 =	vmax.f32 v16, v19  }
0x85: {  	v41 =	vsub.f32 v14, v22;
	v28 =	vmax.f32 v22, v28;
	v26 =	vsub.f32 v26, v31  }
0x86: {  	v25 =	vsub.f32 v25, v40;
	v27 =	vsub.f32 v27, v28;
	v28 =	vmax.f32 v22, v15  }
0x87: {  	v20 =	vadd.f32 v32, v20;
	v31 =	vmul.f32 v33, v41;
	v28 =	vsub.f32 v37, v28  }
0x88: {  	v26 =	vmax.f32 v26, $0.0e+00;
	v25 =	vmax.f32 v25, $0.0e+00;
	v27 =	vmax.f32 v27, $0.0e+00  }
0x89: {  	v26 =	vmul.f32 v26, v27;
	v27 =	vmax.f32 v28, $0.0e+00;
	v28 =	vadd.f32 v30, v31  }
0x8a: {  	v30 =	vadd.f32 v32, v31;
	v25 =	vmul.f32 v25, v27;
	v27 =	vsub.f32 v38, v21  }
0x8b: {  	v24 =	vmul.f32 v24, v24;
	v20 =	vsub.f32 v20, v34;
	v28 =	vsub.f32 v28, v26  }
0x8c: {  	v16 =	vsub.f32 v16, v19;
	v19 =	vmul.f32 v23, v23;
	v23 =	vsub.f32 v30, v25  }
0x8d: {  	v22 =	vsub.f32 v22, v15;
	v26 =	vmul.f32 v27, v26;
	v21 =	vmul.f32 v28, v21  }
0x8e: {  	v19 =	vadd.f32 v19, v24;
	v24 =	vmul.f32 v20, v25;
	v25 =	vmul.f32 v23, v34  }
0x8f: {  	v14 =	vsub.f32 v14, v17;
	v16 =	vmul.f32 v16, v16;
	v17 =	vmul.f32 v22, v22  }
0x90: {  	v22 =	vmul.f32 v39, v39;
	v21 =	vsub.f32 v26, v21;
	v24 =	vsub.f32 v24, v25  }
0x91: {  	v16 =	vadd.f32 v16, v17;
	v17 =	vmul.f32 v27, v28;
	v20 =	vmul.f32 v20, v23;
	v25 =	vld.idx.msk [tilespmem:v29+s8+$0x0], $0xffff  }
0x92: {  	v14 =	vmul.f32 v14, v14;
	v26 =	vsub.f32 $0.0e+00, v21;
	v27 =	vsub.f32 $0.0e+00, v24;
	v23 =	vld.idx.msk [tilespmem:v29+s2+$0x0], $0xffff  }
0x93: {  	v19 =	vadd.f32 v36, v19;
	vm0 =	vlt.f32 v17, $0.0e+00;
	vm1 =	vlt.f32 v20, $0.0e+00  }
0x94: {  	v14 =	vadd.f32 v14, v16;
	v16 =	vsel vm0, v26, v21;
	v17 =	vsel vm1, v27, v24  }
0x95: {  	v19 =	vadd.f32 v35, v19;
	vm0 =	vgt.f32 v16, $0.0e+00;
	vm1 =	vgt.f32 v17, $0.0e+00  }
0x96: {  	v14 =	vadd.f32 v22, v14;
	vm2 =	vmand vm0, vm1;
	vm0 =	vmor vm0, vm1  }
0x97: {  	v13 =	vmul.f32 v13, v18;
	v16 =	vsel vm2, $0x0, v18;
	v17 =	vnsel vm0, $0x0, v18  }
0x98: {  	s19 =	sadd.s32 $0x15, s16;
	s18 =	sadd.s32 $0x14, s16;
	v18 =	vsub.f32 v23, v25;
	v19 =	vmul.f32 v16, v19;
	v14 =	vmul.f32 v17, v14  }
0x99: {  	v22 =	vmov s19;
	v20 =	vmov s18;
	vm0 =	veq.f32 v15, $0.0e+00  }
0x9a: {  	s19 =	sadd.s32 $0x13, s16;
	s18 =	sadd.s32 $0x12, s16;
	v15 =	vmul.f32 v18, v18;
	v18 =	vmul.f32 v12, v12;
	v14 =	vadd.f32 v14, v19  }
0x9b: {  	v23 =	vmov s18;
	v25 =	vmov s19;
	v12 =	vand.u32 $0x7E, v11  }
0x9c: {  	s18 =	sadd.s32 $0x1, s16;
	s19 =	sadd.s32 $0x2, s16;
	v14 =	vmul.f32 $5.000000000e+00, v14;
	v16 =	vmul.f32 v16, v15;
	v15 =	vadd.f32 v18, v15  }
0x9d: {  	v26 =	vshll.u32 v11, $0x3;
	v28 =	vmov s18;
	v32 =	vmov s19;
	s18 =	sadd.s32 $0x3, s16  }
0x9e: {  	s19 =	sadd.s32 $0x6, s16;
	v33 =	vmov s18;
	s18 =	sadd.s32 $0x5, s16;
	v11 =	vadd.f32 v14, v16;
	v14 =	vmul.f32 v17, v18  }
0x9f: {  	v35 =	vmov s19;
	v34 =	vmov s18;
	s18 =	sadd.s32 $0x7, s16;
	v16 =	vsel vm0, $0x3F000000, v0;
	v17 =	vld [tilespmem:$0xC000]  }
0xa0: {  	s20 =	sadd.s32 $0x11, s16;
	s19 =	sadd.s32 $0x10, s16;
	v36 =	vmov s18;
	s18 =	sadd.s32 $0x8, s16;
	v11 =	vadd.f32 v11, v14;
	v14 =	vmul.f32 v15, v16  }
0xa1: {  	s21 =	sadd.s32 $0xF, s16;
	v39 =	vmov s20;
	v38 =	vmov s19;
	v37 =	vmov s18;
	s18 =	sadd.s32 $0xE, s16  }
0xa2: {  	s22 =	sadd.s32 $0xD, s16;
	v41 =	vmov s21;
	s20 =	sadd.s32 $0xC, s16;
	s19 =	sadd.s32 $0xA, s16;
	v40 =	vmov s18;
	v11 =	vadd.f32 v11, v14  }
0xa3: {  	v44 =	vmov s22;
	v43 =	vmov s20;
	v42 =	vmov s19;
	s18 =	sadd.s32 $0xB, s16  }
0xa4: {  	v46 =	vand.u32 $0x7F, v8;
	v45 =	vmov s18;
	v14 =	vadd.f32 v17, v11  }
0xa5: {  	v49 =	vshll.u32 v8, $0x3;
	v47 =	vand.u32 $0x7E, v7;
	v48 =	vshll.u32 v7, $0x3  }
0xa6: {  	v8 =	vand.u32 $0x7F, v6;
	v11 =	vand.u32 $0x7F, v5;
	v7 =	vadd.f32 v13, v14  }
0xa7: {  	v50 =	vshll.u32 v6, $0x3;
	v51 =	vshll.u32 v5, $0x3;
	v15 =	vand.u32 $0x7E, v4  }
0xa8: {  	v53 =	vshll.u32 v4, $0x3;
	v52 =	vshll.u32 v10, $0x3;
	v18 =	vand.u32 $0x7F, v10;
	[tilespmem:$0xC000] =	vst v7  }
0xa9: {  	v54 =	vshll.u32 v3, $0x3;
	v21 =	vand.u32 $0x7F, v2;
	v19 =	vand.u32 $0x7E, v3  }
0xaa: {  	v56 =	vshll.u32 v2, $0x3;
	v55 =	vshll.u32 v9, $0x3;
	v24 =	vand.u32 $0x7E, v9  }
0xab: {  	v30 =	vshll.u32 v22, $0x3;
	v29 =	vand.u32 $0x7E, v20;
	v27 =	vand.u32 $0x7F, v22  }
0xac: {  	v59 =	vshll.u32 v20, $0x3;
	v57 =	vand.u32 $0x7F, v25;
	v58 =	vshll.u32 v25, $0x3  }
0xad: {  	v60 =	vand.u32 $0x7E, v23;
	v61 =	vshll.u32 v23, $0x3;
	v10 =	vand.u32 $0x7FFFFC00, v26  }
0xae: {  	v16 =	vand.u32 $0x7E, v32;
	v13 =	vand.u32 $0x7F, v33;
	v7 =	vand.u32 $0x7F, v28  }
0xaf: {  	v9 =	vand.u32 $0x7E, v35;
	v6 =	vand.u32 $0x7F, v34;
	v14 =	vand.u32 $0x7F, v36  }
0xb0: {  	v62 =	vand.u32 $0x7F, v39;
	v31 =	vshll.u32 v28, $0x3;
	v17 =	vand.u32 $0x7E, v37  }
0xb1: {  	v2 =	vand.u32 $0x7FFFFC00, v49;
	v26 =	vshll.u32 v33, $0x3;
	v28 =	vshll.u32 v32, $0x3  }
0xb2: {  	v2 =	vor.u32 v46, v2;
	v23 =	vshll.u32 v35, $0x3;
	v25 =	vshll.u32 v34, $0x3  }
0xb3: {  	v3 =	vand.u32 $0x7FFFFC00, v48;
	v22 =	vshll.u32 v36, $0x3;
	v4 =	vadd.s32 v1, v2  }
0xb4: {  	v3 =	vor.u32 v47, v3;
	v20 =	vshll.u32 v37, $0x3;
	v2 =	vshll.u32 v42, $0x3  }
0xb5: {  	v2 =	vand.u32 $0x7FFFFC00, v2;
	v5 =	vand.u32 $0x7E, v42;
	v32 =	vadd.s32 v1, v3  }
0xb6: {  	v2 =	vor.u32 v5, v2;
	v33 =	vshll.u32 v39, $0x3;
	v3 =	vshll.u32 v45, $0x3  }
0xb7: {  	v34 =	vadd.s32 v1, v2;
	v2 =	vand.u32 $0x7F, v45;
	v3 =	vand.u32 $0x7FFFFC00, v3  }
0xb8: {  	v35 =	vand.u32 $0x7E, v38;
	v5 =	vshll.u32 v43, $0x3;
	v3 =	vor.u32 v2, v3;
	v2 =	vld.idx.msk [tilespmem:v4+s2+$0x0], $0xffff  }
0xb9: {  	v37 =	vand.u32 $0x7E, v43;
	v5 =	vand.u32 $0x7FFFFC00, v5;
	v36 =	vadd.s32 v1, v3;
	v3 =	vld.idx.msk [tilespmem:v4+s8+$0x0], $0xffff  }
0xba: {  	v38 =	vshll.u32 v38, $0x3;
	v5 =	vor.u32 v37, v5;
	v37 =	vshll.u32 v44, $0x3;
	v4 =	vld.idx.msk [tilespmem:v32+s2+$0x0], $0xffff  }
0xbb: {  	v42 =	vand.u32 $0x7F, v44;
	v39 =	vadd.s32 v1, v5;
	v37 =	vand.u32 $0x7FFFFC00, v37;
	v5 =	vld.idx.msk [tilespmem:v32+s8+$0x0], $0xffff  }
0xbc: {  	v32 =	vor.u32 v42, v37;
	v37 =	vshll.u32 v40, $0x3;
	v42 =	vand.u32 $0x7F, v41;
	v43 =	vld.idx.msk [tilespmem:v34+s2+$0x0], $0xffff  }
0xbd: {  	v40 =	vand.u32 $0x7E, v40;
	v44 =	vadd.s32 v1, v32;
	v37 =	vand.u32 $0x7FFFFC00, v37;
	v34 =	vld.idx.msk [tilespmem:v34+s8+$0x0], $0xffff  }
0xbe: {  	v32 =	vand.u32 $0x7FFFFC00, v50;
	v37 =	vor.u32 v40, v37;
	v40 =	vshll.u32 v41, $0x3;
	v45 =	vld.idx.msk [tilespmem:v36+s2+$0x0], $0xffff  }
0xbf: {  	v41 =	vand.u32 $0x7FFFFC00, v51;
	v37 =	vadd.s32 v1, v37;
	v40 =	vand.u32 $0x7FFFFC00, v40;
	v36 =	vld.idx.msk [tilespmem:v36+s8+$0x0], $0xffff  }
0xc0: {  	v47 =	vand.u32 $0x7FFFFC00, v53;
	v40 =	vor.u32 v42, v40;
	v42 =	vand.u32 $0x7FFFFC00, v52;
	v46 =	vld.idx.msk [tilespmem:v39+s2+$0x0], $0xffff  }
0xc1: {  	v48 =	vand.u32 $0x7FFFFC00, v54;
	v38 =	vand.u32 $0x7FFFFC00, v38;
	v40 =	vadd.s32 v1, v40;
	v39 =	vld.idx.msk [tilespmem:v39+s8+$0x0], $0xffff  }
0xc2: {  	v35 =	vor.u32 v35, v38;
	v38 =	vand.u32 $0x7FFFFC00, v55;
	v50 =	vand.u32 $0x7FFFFC00, v56;
	v49 =	vld.idx.msk [tilespmem:v44+s2+$0x0], $0xffff  }
0xc3: {  	v35 =	vadd.s32 v1, v35;
	v33 =	vand.u32 $0x7FFFFC00, v33;
	v51 =	vand.u32 $0x7FFFFC00, v61;
	v44 =	vld.idx.msk [tilespmem:v44+s8+$0x0], $0xffff  }
0xc4: {  	v53 =	vand.u32 $0x7FFFFC00, v58;
	v33 =	vor.u32 v62, v33;
	v51 =	vor.u32 v60, v51;
	v52 =	vld.idx.msk [tilespmem:v37+s2+$0x0], $0xffff  }
0xc5: {  	v33 =	vadd.s32 v1, v33;
	v34 =	vsub.f32 v43, v34;
	v36 =	vsub.f32 v45, v36;
	v37 =	vld.idx.msk [tilespmem:v37+s8+$0x0], $0xffff  }
0xc6: {  	v45 =	vadd.s32 v1, v51;
	v51 =	vor.u32 v57, v53;
	v53 =	vand.u32 $0x7FFFFC00, v59;
	v43 =	vld.idx.msk [tilespmem:v40+s2+$0x0], $0xffff  }
0xc7: {  	v34 =	vmul.f32 v34, v34;
	v36 =	vmul.f32 v36, v36;
	v39 =	vsub.f32 v46, v39;
	v40 =	vld.idx.msk [tilespmem:v40+s8+$0x0], $0xffff  }
0xc8: {  	v30 =	vand.u32 $0x7FFFFC00, v30;
	v51 =	vadd.s32 v1, v51;
	v29 =	vor.u32 v29, v53;
	v46 =	vld.idx.msk [tilespmem:v35+s2+$0x0], $0xffff  }
0xc9: {  	v34 =	vadd.f32 v36, v34;
	v36 =	vmul.f32 v39, v39;
	v39 =	vsub.f32 v49, v44;
	v35 =	vld.idx.msk [tilespmem:v35+s8+$0x0], $0xffff  }
0xca: {  	v27 =	vor.u32 v27, v30;
	v10 =	vor.u32 v12, v10;
	v29 =	vadd.s32 v1, v29;
	v12 =	vld.idx.msk [tilespmem:v33+s2+$0x0], $0xffff  }
0xcb: {  	v30 =	vadd.f32 v36, v34;
	v34 =	vmul.f32 v39, v39;
	v36 =	vsub.f32 v52, v37;
	v33 =	vld.idx.msk [tilespmem:v33+s8+$0x0], $0xffff  }
0xcc: {  	v27 =	vadd.s32 v1, v27;
	v31 =	vand.u32 $0x7FFFFC00, v31;
	v24 =	vor.u32 v24, v38;
	v37 =	vld.idx.msk [tilespmem:v45+s2+$0x0], $0xffff  }
0xcd: {  	v30 =	vadd.f32 v34, v30;
	v34 =	vmul.f32 v36, v36;
	v36 =	vsub.f32 v43, v40;
	v38 =	vld.idx.msk [tilespmem:v45+s8+$0x0], $0xffff  }
0xce: {  	v24 =	vadd.s32 v1, v24;
	v28 =	vand.u32 $0x7FFFFC00, v28;
	v21 =	vor.u32 v21, v50;
	v39 =	vld.idx.msk [tilespmem:v51+s2+$0x0], $0xffff  }
0xcf: {  	v30 =	vadd.f32 v34, v30;
	v34 =	vmul.f32 v36, v36;
	v35 =	vsub.f32 v46, v35;
	v36 =	vld.idx.msk [tilespmem:v51+s8+$0x0], $0xffff  }
0xd0: {  	v26 =	vand.u32 $0x7FFFFC00, v26;
	v21 =	vadd.s32 v1, v21;
	v43 =	vor.u32 v19, v48;
	v40 =	vld.idx.msk [tilespmem:v29+s2+$0x0], $0xffff  }
0xd1: {  	v30 =	vadd.f32 v34, v30;
	v34 =	vmul.f32 v35, v35;
	v12 =	vsub.f32 v12, v33;
	v29 =	vld.idx.msk [tilespmem:v29+s8+$0x0], $0xffff  }
0xd2: {  	v18 =	vor.u32 v18, v42;
	v19 =	vand.u32 $0x7FFFFC00, v25;
	v33 =	vadd.s32 v1, v43;
	v25 =	vld.idx.msk [tilespmem:v27+s2+$0x0], $0xffff  }
0xd3: {  	v30 =	vadd.f32 v34, v30;
	v12 =	vmul.f32 v12, v12;
	v34 =	vsub.f32 v37, v38;
	v27 =	vld.idx.msk [tilespmem:v27+s8+$0x0], $0xffff  }
0xd4: {  	v23 =	vand.u32 $0x7FFFFC00, v23;
	v15 =	vor.u32 v15, v47;
	v18 =	vadd.s32 v1, v18;
	v35 =	vld.idx.msk [tilespmem:v24+s2+$0x0], $0xffff  }
0xd5: {  	v12 =	vadd.f32 v12, v30;
	v30 =	vmul.f32 v34, v34;
	v34 =	vsub.f32 v39, v36;
	v24 =	vld.idx.msk [tilespmem:v24+s8+$0x0], $0xffff  }
0xd6: {  	v22 =	vand.u32 $0x7FFFFC00, v22;
	v15 =	vadd.s32 v1, v15;
	v11 =	vor.u32 v11, v41;
	v36 =	vld.idx.msk [tilespmem:v21+s2+$0x0], $0xffff  }
0xd7: {  	v12 =	vadd.f32 v30, v12;
	v30 =	vmul.f32 v34, v34;
	v29 =	vsub.f32 v40, v29;
	v21 =	vld.idx.msk [tilespmem:v21+s8+$0x0], $0xffff  }
0xd8: {  	v20 =	vand.u32 $0x7FFFFC00, v20;
	v8 =	vor.u32 v8, v32;
	v34 =	vadd.s32 v1, v11;
	v32 =	vld.idx.msk [tilespmem:v33+s2+$0x0], $0xffff  }
0xd9: {  	v11 =	vadd.f32 v30, v12;
	v12 =	vmul.f32 v29, v29;
	v25 =	vsub.f32 v25, v27;
	v27 =	vld.idx.msk [tilespmem:v33+s8+$0x0], $0xffff  }
0xda: {  	v17 =	vor.u32 v17, v20;
	v16 =	vor.u32 v16, v28;
	v28 =	vadd.s32 v1, v8;
	v29 =	vld.idx.msk [tilespmem:v18+s2+$0x0], $0xffff  }
0xdb: {  	v8 =	vadd.f32 v12, v11;
	v12 =	vmul.f32 v25, v25;
	v20 =	vsub.f32 v35, v24;
	v24 =	vld.idx.msk [tilespmem:v18+s8+$0x0], $0xffff  }
0xdc: {  	v13 =	vor.u32 v13, v26;
	v14 =	vor.u32 v14, v22;
	v18 =	vadd.s32 v1, v17;
	v11 =	vld.idx.msk [tilespmem:v15+s2+$0x0], $0xffff  }
.Ltmp0:
0xdd: {  	v12 =	vadd.f32 v12, v8;
	v17 =	vmul.f32 v20, v20;
	v21 =	vsub.f32 v36, v21;
	v15 =	vld.idx.msk [tilespmem:v15+s8+$0x0], $0xffff;
	(pc) =	sbr.rel @p0 .LBB2_4-.Ltmp0, $4  }
0xde: {  	v14 =	vadd.s32 v1, v14;
	v20 =	vadd.s32 v1, v13;
	v13 =	vor.u32 v9, v23;
	v8 =	vld.idx.msk [tilespmem:v34+s2+$0x0], $0xffff  }
0xdf: {  	v17 =	vadd.f32 v17, v12;
	v22 =	vmul.f32 v21, v21;
	v25 =	vsub.f32 v32, v27;
	v9 =	vld.idx.msk [tilespmem:v34+s8+$0x0], $0xffff  }
0xe0: {  	v23 =	vor.u32 v7, v31;
	v21 =	vadd.s32 v1, v16;
	v16 =	vadd.s32 v1, v13;
	v12 =	vld.idx.msk [tilespmem:v28+s2+$0x0], $0xffff  }
0xe1: {  	s17 =	sadd.s32 $0x1E, s17;
	v7 =	vadd.f32 v22, v17;
	v17 =	vmul.f32 v25, v25;
	v22 =	vsub.f32 v29, v24;
	v13 =	vld.idx.msk [tilespmem:v28+s8+$0x0], $0xffff  }
0xe2: {  	_ =	sdelay $0x3  }
0xe3: {  	v24 =	vld.idx.msk [tilespmem:v18+s8+$0x0], $0xffff  }
0xe4: {  	v46 =	vld.idx.msk [tilespmem:v20+s8+$0x0], $0xffff  }
0xe5: {  	v26 =	vld.idx.msk [tilespmem:v14+s8+$0x0], $0xffff  }
0xe6: {  	v27 =	vld.idx.msk [tilespmem:v21+s8+$0x0], $0xffff  }
0xe7: {  	v28 =	vld.idx.msk [tilespmem:v16+s8+$0x0], $0xffff  }
0xe8: {  	v10 =	vadd.s32 v1, v10;
	v47 =	vld.idx.msk [tilespmem:v20+s2+$0x0], $0xffff  }
0xe9: {  	v23 =	vadd.s32 v1, v23;
	s16 =	sadd.s32 $0x4, s16;
	v49 =	vld.idx.msk [tilespmem:v21+s2+$0x0], $0xffff  }
0xea: {  	v6 =	vor.u32 v6, v19;
	v55 =	vld.idx.msk [tilespmem:v18+s2+$0x0], $0xffff;
	v50 =	vmov s16  }
0xeb: {  	v11 =	vsub.f32 v11, v15;
	v61 =	vld.idx.msk [tilespmem:v14+s2+$0x0], $0xffff;
	v25 =	vadd.s32 v1, v6;
	v51 =	vshll.u32 v50, $0x3  }
0xec: {  	v63 =	vld.idx.msk [tilespmem:v16+s2+$0x0], $0xffff;
	v7 =	vadd.f32 v17, v7;
	v15 =	vand.u32 $0x7E, v50;
	v17 =	vand.u32 $0x7FFFFC00, v51  }
0xed: {  	v48 =	vmul.f32 v22, v22;
	v15 =	vor.u32 v15, v17;
	v29 =	vld.idx.msk [tilespmem:v10+s8+$0x0], $0xffff;
	v32 =	vsub.f32 v24, v28  }
0xee: {  	v30 =	vld.idx.msk [tilespmem:v23+s8+$0x0], $0xffff;
	v33 =	vsub.f32 v47, v46;
	v34 =	vmin.f32 v47, v46;
	v35 =	vmin.f32 v49, v27  }
0xef: {  	v10 =	vld.idx.msk [tilespmem:v10+s2+$0x0], $0xffff;
	v36 =	vmin.f32 v49, v26;
	v57 =	vmin.f32 v47, v24;
	v60 =	vsub.f32 v49, v27  }
0xf0: {  	v52 =	vld.idx.msk [tilespmem:v23+s2+$0x0], $0xffff;
	v62 =	vsub.f32 v55, v24;
	v19 =	vmin.f32 v55, v46;
	v24 =	vmin.f32 v55, v24  }
0xf1: {  	v39 =	vmax.f32 v63, v28;
	v16 =	vsub.f32 v63, v28;
	v14 =	vsub.f32 v61, v26  }
0xf2: {  	v18 =	vsub.f32 v55, v63;
	v6 =	vld.idx.msk [tilespmem:v25+s8+$0x0], $0xffff;
	v24 =	vsub.f32 v24, v39;
	v45 =	vmul.f32 v33, v33  }
0xf3: {  	v15 =	vadd.s32 v1, v15;
	v16 =	vmul.f32 v16, v16;
	v14 =	vmul.f32 v14, v14  }
0xf4: {  	v24 =	vmax.f32 v24, $0.0e+00;
	v53 =	vsub.f32 v27, v29;
	v31 =	vsub.f32 v46, v30  }
0xf5: {  	v25 =	vld.idx.msk [tilespmem:v25+s2+$0x0], $0xffff;
	v37 =	vmax.f32 v10, v29;
	v56 =	vmax.f32 v52, v30;
	v21 =	vsub.f32 v49, v10  }
0xf6: {  	v58 =	vmax.f32 v52, v28;
	v20 =	vsub.f32 v47, v52;
	v22 =	vsub.f32 v52, v30  }
0xf7: {  	v27 =	vmin.f32 v61, v27;
	v30 =	vmax.f32 v63, v30;
	v54 =	vsub.f32 v26, v6  }
0xf8: {  	v46 =	vmul.f32 v60, v60;
	v35 =	vsub.f32 v35, v37;
	v34 =	vsub.f32 v34, v56  }
0xf9: {  	v38 =	vmax.f32 v10, v6;
	v59 =	vsub.f32 v57, v58;
	v10 =	vsub.f32 v10, v29  }
0xfa: {  	v29 =	vmax.f32 v25, v29;
	v19 =	vsub.f32 v19, v30;
	v40 =	vsub.f32 v61, v25  }
0xfb: {  	v41 =	vmax.f32 v25, v6;
	v36 =	vsub.f32 v36, v38;
	v23 =	vmul.f32 v31, v53  }
0xfc: {  	v20 =	vmul.f32 v20, v21;
	v38 =	vmin.f32 v61, v26;
	v27 =	vsub.f32 v27, v29  }
0xfd: {  	v17 =	vmul.f32 v32, v54;
	v35 =	vmax.f32 v35, $0.0e+00;
	v34 =	vmax.f32 v34, $0.0e+00  }
0xfe: {  	v31 =	vmax.f32 v59, $0.0e+00;
	v29 =	vsub.f32 v38, v41;
	v18 =	vmul.f32 v18, v40  }
0xff: {  	v19 =	vmax.f32 v19, $0.0e+00;
	v36 =	vmax.f32 v36, $0.0e+00;
	v21 =	vmul.f32 v34, v35  }
0x100: {  	v27 =	vmax.f32 v27, $0.0e+00;
	v43 =	vadd.f32 v23, v20;
	v31 =	vmul.f32 v31, v36  }
0x101: {  	v19 =	vmul.f32 v19, v27;
	v42 =	vmax.f32 v29, $0.0e+00;
	v23 =	vadd.f32 v23, v18  }
0x102: {  	v20 =	vadd.f32 v17, v20;
	v17 =	vadd.f32 v17, v18;
	v24 =	vmul.f32 v24, v42  }
0x103: {  	v22 =	vmul.f32 v22, v22;
	v27 =	vsub.f32 v43, v21;
	v23 =	vsub.f32 v23, v19  }
0x104: {  	v10 =	vmul.f32 v10, v10;
	v20 =	vsub.f32 v20, v31;
	v17 =	vsub.f32 v17, v24  }
0x105: {  	v25 =	vsub.f32 v25, v6;
	v19 =	vmul.f32 v27, v19;
	v21 =	vmul.f32 v23, v21  }
0x106: {  	v7 =	vadd.f32 v48, v7;
	v47 =	vmul.f32 v20, v24;
	v48 =	vmul.f32 v17, v31  }
0x107: {  	v49 =	vmul.f32 v62, v62;
	v25 =	vmul.f32 v25, v25;
	v10 =	vadd.f32 v22, v10  }
0x108: {  	vm0 =	vgt.f32 v6, $0.0e+00;
	v19 =	vsub.f32 v19, v21;
	v50 =	vsub.f32 v47, v48  }
0x109: {  	v16 =	vadd.f32 v16, v25;
	v51 =	vmul.f32 v27, v23;
	v17 =	vmul.f32 v20, v17  }
0x10a: {  	v52 =	vld.idx.msk [tilespmem:v15+s8+$0x0], $0xffff;
	v44 =	vsel vm0, $0x3F800000, v0;
	v53 =	vsub.f32 $0.0e+00, v19;
	v24 =	vsub.f32 $0.0e+00, v50  }
0x10b: {  	v15 =	vld.idx.msk [tilespmem:v15+s2+$0x0], $0xffff;
	v10 =	vadd.f32 v46, v10;
	vm14 =	vlt.f32 v51, $0.0e+00;
	vm1 =	vlt.f32 v17, $0.0e+00  }
0x10c: {  	v14 =	vadd.f32 v14, v16;
	v54 =	vsel vm14, v53, v19;
	v17 =	vsel vm1, v24, v50  }
0x10d: {  	v10 =	vadd.f32 v45, v10;
	vm0 =	vgt.f32 v54, $0.0e+00;
	vm1 =	vgt.f32 v17, $0.0e+00  }
0x10e: {  	v14 =	vadd.f32 v49, v14;
	vm2 =	vmand vm0, vm1;
	vm0 =	vmor vm0, vm1  }
0x10f: {  	v55 =	vsel vm2, $0x0, v44;
	v56 =	vnsel vm0, $0x0, v44  }
0x110: {  	v15 =	vsub.f32 v15, v52;
	v10 =	vmul.f32 v55, v10;
	v14 =	vmul.f32 v56, v14  }
0x111: {  	v11 =	vmul.f32 v11, v11;
	v8 =	vsub.f32 v8, v9;
	v57 =	vsub.f32 v12, v13  }
0x112: {  	v4 =	vsub.f32 v4, v5;
	v58 =	vmul.f32 v15, v15;
	v10 =	vadd.f32 v14, v10  }
0x113: {  	v8 =	vmul.f32 v8, v8;
	v7 =	vadd.f32 v11, v7;
	v59 =	vmul.f32 v57, v57  }
0x114: {  	v2 =	vsub.f32 v2, v3;
	v9 =	vmul.f32 v55, v58;
	v60 =	vmul.f32 $5.000000000e+00, v10  }
0x115: {  	v4 =	vmul.f32 v4, v4;
	v7 =	vadd.f32 v8, v7;
	vm15 =	veq.f32 v6, $0.0e+00  }
0x116: {  	v3 =	vadd.f32 v59, v58;
	v5 =	vmul.f32 v56, v59;
	v61 =	vadd.f32 v60, v9  }
0x117: {  	v2 =	vmul.f32 v2, v2;
	v63 =	vld [tilespmem:$0xC000];
	v62 =	vsel vm15, $0x3F000000, v0  }
0x118: {  	v4 =	vadd.f32 v4, v7;
	v3 =	vmul.f32 v3, v62;
	v5 =	vadd.f32 v61, v5;
	_ =	sdelay $0x1  }
0x119: {  	s15 =	sadd.s32 $0x1, s15;
	v2 =	vadd.f32 v2, v4;
	v3 =	vadd.f32 v5, v3  }
0x11a: {  	p0 =	sne.s32 s15, $0x7  }
.Ltmp1:
0x11b: {  	v2 =	vmul.f32 v2, v44;
	v3 =	vadd.f32 v63, v3;
	(pc) =	sbr.rel @p0 .LBB2_3-.Ltmp1, $3  }
0x11c: {  	_ = 	snop  }
0x11d: {  	v2 =	vadd.f32 v2, v3;
	_ =	sdelay $0x1  }
0x11e: {  	s14 =	sadd.s32 $0xD2, s14;
	[tilespmem:$0xC000] =	vst v2  }
0x11f: {  	s13 =	sadd.s32 $0x1, s13  }
0x120: {  	p0 =	sne.s32 s13, $0x6  }
.Ltmp2:
0x121: {  	_ = 	snop;
	(pc) =	sbr.rel @p0 .LBB2_2-.Ltmp2, $1  }
0x122: {  	_ =	sdelay $0x3  }
0x123: {  	s12 =	sadd.s32 $0x1, s12  }
0x124: {  	p0 =	sne.s32 s12, s7  }
.Ltmp3:
0x125: {  	_ = 	snop;
	(pc) =	sbr.rel @p0 .LBB2_1-.Ltmp3, $4  }
0x126: {  	[hbm4b:s6+s2] =	stream.linear.scatter [tilespmem:s10], [sflag:$0x2], $0x80, $0x38;
	[tilespmem:$0xC080] =	vst v63  }
0x127: {  	_ =	swait.ge [sflag:s11], $0x80  }
0x128: {  	[sflag:s11] =	ssyncset.done $0x0  }
0x129: {  	[sflag:s11] =	ssyncadd.s32 $0xFFFFFF80  }
0x12a: {  	_ =	sfence.sel $0x180000  }
0x12b: {  	[bflag:$0x0] =	sbarrier.arrive $0xFFFF  }
0x12c: {  	p0 =	sne.s32 s1, $0x0;
	_ =	strace $0x90000047  }
0x12d: {  	s0 =	sadd.s32 @!p0 $0x100000, s0;
	[bflag:$0x2] =	sbarrier.arrive $0xFFFF  }
0x12e: {  	[sflag:s0] =	ssyncadd.tile.s32 @!p0 $0x1;
	_ =	shalt  }
.Lfunc_end2:
_tile_overlayer_lowered:
.L_overlay_start_2:
0x12f: {  	(tag) =	ssettag $0x2  }
0x130: {  	s0 =	rddreg [dreg:$0x0];
	s2 =	stileid.u32  }
0x131: {  	s1 =	rddreg [dreg:$0x1];
	p0 =	sne.s32 s2, $0x0  }
0x132: {  	s3 =	rddreg [dreg:$0x2];
	[bflag:$0x3] =	sbarrier.arrive $0xFFFF;
	s2 =	simm.s32 @!p0 $0x1C02  }
0x133: {  	[timem:s3], [sflag:s2] =	dma.local @!p0 [hbm:s0], s1  }
0x134: {  	s0 =	simm.s32 @!p0 $0x2  }
0x135: {  	_ =	swait.ge @!p0 [sflag:s0], s1  }
0x136: {  	s1 =	ssub.s32 @!p0 $0x0, s1;
	[sflag:s0] =	ssyncset.done @!p0 $0x0  }
0x137: {  	[sflag:s0] =	ssyncadd.s32 @!p0 s1  }
0x138: {  	[bflag:$0x3] =	sbarrier.arrive $0xFFFF  }
0x139: {  	_ =	shalt  }

</sc_bundles>
